<compile_context>
chip_gen: v7x
topology: tpu7x:2x2x1
jax: 0.10.2.dev20260603
libtpu: 0.0.44.dev20260713+nightly
codegen_flags: <defaults>
</compile_context>

<pallas_src>
import functools
import math

import jax
import jax.numpy as jnp
from jax import lax
from jax.experimental import pallas as pl
from jax.experimental.pallas import tpu as pltpu
from jax.experimental.pallas import tpu_sc as plsc

D_MODEL = 64
SCALE = math.sqrt(D_MODEL)
NUM_CORES = 2
NUM_SUBCORES = 16
NUM_WORKERS = NUM_CORES * NUM_SUBCORES

CHUNK = 128
NBUF = 4
AHEAD = NBUF - 1


def _gather(tokens_flat, table, B):
    mesh = plsc.VectorSubcoreMesh(core_axis_name="c", subcore_axis_name="s")
    b_per_w = B // NUM_WORKERS
    n_chunks = b_per_w // CHUNK

    @functools.partial(
        pl.kernel,
        out_type=jax.ShapeDtypeStruct((B, D_MODEL), jnp.float32),
        mesh=mesh,
        scratch_types=[
            pltpu.VMEM((NBUF, CHUNK), jnp.int32),
            pltpu.VMEM((NBUF, CHUNK, D_MODEL), jnp.float32),
        ]
        + [pltpu.SemaphoreType.DMA] * (2 * NBUF),
        compiler_params=pltpu.CompilerParams(
            use_tc_tiling_on_sc=False, needs_layout_passes=False
        ),
    )
    def body(tok_hbm, tab_hbm, out_hbm, idx_v, rows_v, *sems):
        gsem = sems[:NBUF]
        ssem = sems[NBUF:]
        wid = lax.axis_index("s") * NUM_CORES + lax.axis_index("c")
        base = wid * b_per_w

        def issue_gather(g, slot):
            off = base + g * CHUNK
            pltpu.sync_copy(tok_hbm.at[pl.ds(off, CHUNK)], idx_v.at[slot])
            pltpu.async_copy(
                tab_hbm.at[idx_v.at[slot]], rows_v.at[slot], gsem[slot]
            )

        for g in range(AHEAD):
            issue_gather(g, g % NBUF)

        def outer(t, carry):
            for j in range(NBUF):
                g = t * NBUF + j
                pltpu.make_async_copy(
                    tab_hbm.at[idx_v.at[j]], rows_v.at[j], gsem[j]
                ).wait()

                @plsc.parallel_loop(0, CHUNK, 1, unroll=4)
                def _(r):
                    for q in range(D_MODEL // 16):
                        sl = pl.ds(q * 16, 16)
                        rows_v[j, r, sl] = rows_v[j, r, sl] * SCALE

                off = base + g * CHUNK
                pltpu.async_copy(
                    rows_v.at[j], out_hbm.at[pl.ds(off, CHUNK)], ssem[j]
                )

                nxt = g + AHEAD

                @pl.when(nxt < n_chunks)
                def _():
                    slot = (j + AHEAD) % NBUF
                    @pl.when(nxt >= NBUF)
                    def _():
                        pltpu.make_async_copy(
                            rows_v.at[slot],
                            out_hbm.at[pl.ds(0, CHUNK)],
                            ssem[slot],
                        ).wait()

                    issue_gather(nxt, slot)

            return carry

        lax.fori_loop(0, n_chunks // NBUF, outer, 0)

        for j in range(NBUF):
            pltpu.make_async_copy(
                rows_v.at[j], out_hbm.at[pl.ds(0, CHUNK)], ssem[j]
            ).wait()

    return body(tokens_flat, table)


def kernel(tokens, table):
    S, SEQ = tokens.shape
    B = S * SEQ
    tok_flat = tokens.reshape(B).astype(jnp.int32)
    out = _gather(tok_flat, table, B)
    return out.reshape(S, SEQ, D_MODEL)

# --- scband reference (transcript-rebuilt; emitter-appended) ---
"""Pipeline reference for scband-token-embedding-20950850470502 (READ-ONLY COPY).

The authoritative reference and input builder live on the scoring server;
editing this copy changes nothing except your own understanding.
"""

import jax, jax.numpy as jnp
import numpy as np
import math

VOCAB = 1000000
D_MODEL = 64

def setup_inputs(seed: int = 0) -> dict:
    key = jax.random.key(seed)
    k1, k2 = jax.random.split(key)
    tokens = jax.random.randint(k1, (4096, 200), 0, VOCAB, dtype=jnp.int64 if jax.config.jax_enable_x64 else jnp.int32)
    table = jax.random.normal(k2, (VOCAB, D_MODEL), dtype=jnp.float32)
    return {"tokens": tokens, "table": table}

def reference(tokens, table):
    # embedding lookup scaled by sqrt(d_model)
    emb = jnp.take(table, tokens, axis=0)
    return emb * math.sqrt(D_MODEL)

if __name__ == "__main__":
    import jax
    _d = setup_inputs()
    print(jax.jit(kernel)(*tuple(_d.values())))

</pallas_src>

<mosaic_0001>
#map = affine_map<(d0, d1) -> (0)>
#map1 = affine_map<(d0, d1) -> (0, 0)>
module attributes {stable_mosaic.version = 14 : i64} {
  func.func @body(%arg0: i32, %arg1: i32, %arg2: memref<819200xi32, #tpu.memory_space<hbm>>, %arg3: memref<1000000x64xf32, #tpu.memory_space<hbm>>, %arg4: memref<819200x64xf32, #tpu.memory_space<hbm>>, %arg5: memref<4x128xi32, #tpu.memory_space<vmem>>, %arg6: memref<4x128x64xf32, #tpu.memory_space<vmem>>, %arg7: memref<!tpu.dma_semaphore, #tpu.memory_space<semaphore_mem>>, %arg8: memref<!tpu.dma_semaphore, #tpu.memory_space<semaphore_mem>>, %arg9: memref<!tpu.dma_semaphore, #tpu.memory_space<semaphore_mem>>, %arg10: memref<!tpu.dma_semaphore, #tpu.memory_space<semaphore_mem>>, %arg11: memref<!tpu.dma_semaphore, #tpu.memory_space<semaphore_mem>>, %arg12: memref<!tpu.dma_semaphore, #tpu.memory_space<semaphore_mem>>, %arg13: memref<!tpu.dma_semaphore, #tpu.memory_space<semaphore_mem>>, %arg14: memref<!tpu.dma_semaphore, #tpu.memory_space<semaphore_mem>>) attributes {dimension_semantics = [#tpu.dimension_semantics<core_parallel>, #tpu.dimension_semantics<subcore_parallel>], iteration_bounds = array<i64: 2, 16>, scalar_prefetch = 0 : i64, scratch_operands = 10 : i64, tpu.core_type = #tpu.core_type<sc_vector_subcore>, window_params = [{transform_indices = #map}, {transform_indices = #map1}, {transform_indices = #map1}]} {
    %mul3A = arith.constant 2 : i32
    %mul3A_0 = arith.muli %arg1, %mul3A : i32
    %add3A = arith.addi %mul3A_0, %arg0 : i32
    %mul3A_1 = arith.constant 25600 : i32
    %mul3A_2 = arith.muli %add3A, %mul3A_1 : i32
    %add3A_3 = arith.constant 0 : i32
    %add3A_4 = arith.addi %mul3A_2, %add3A_3 : i32
    %run_scoped3A = arith.constant 0 : i32
    "tpu.region"() ({
      %run_scoped3A_110 = tpu.sem_alloc : memref<!tpu.dma_semaphore, #tpu.memory_space<semaphore_mem>>
      %dma_start3A_111 = arith.constant 0 : i32
      %dma_start3A_112 = tpu.memref_slice %arg5[%run_scoped3A, %dma_start3A_111] : memref<4x128xi32, #tpu.memory_space<vmem>> -> memref<1x128xi32, #tpu.memory_space<vmem>>
      %dma_start3A_113 = tpu.memref_squeeze %dma_start3A_112 : memref<1x128xi32, #tpu.memory_space<vmem>> -> memref<128xi32, #tpu.memory_space<vmem>>
      %dma_start3A_114 = tpu.memref_slice %arg2[%add3A_4] : memref<819200xi32, #tpu.memory_space<hbm>> -> memref<128xi32, #tpu.memory_space<hbm>>
      %dma_start3A_115 = arith.constant 0 : i32
      %dma_start3A_116 = tpu.memref_slice %arg5[%run_scoped3A, %dma_start3A_115] : memref<4x128xi32, #tpu.memory_space<vmem>> -> memref<1x128xi32, #tpu.memory_space<vmem>>
      %dma_start3A_117 = tpu.memref_squeeze %dma_start3A_116 : memref<1x128xi32, #tpu.memory_space<vmem>> -> memref<128xi32, #tpu.memory_space<vmem>>
      %dma_start3A_118 = tpu.memref_slice %arg2[%add3A_4] : memref<819200xi32, #tpu.memory_space<hbm>> -> memref<128xi32, #tpu.memory_space<hbm>>
      tpu.enqueue_dma source(%dma_start3A_118 : memref<128xi32, #tpu.memory_space<hbm>>) target(%dma_start3A_117 : memref<128xi32, #tpu.memory_space<vmem>>) target_semaphore(%run_scoped3A_110 : memref<!tpu.dma_semaphore, #tpu.memory_space<semaphore_mem>>)
      %dma_wait3A_119 = arith.constant 0 : i32
      %dma_wait3A_120 = tpu.memref_slice %arg5[%run_scoped3A, %dma_wait3A_119] : memref<4x128xi32, #tpu.memory_space<vmem>> -> memref<1x128xi32, #tpu.memory_space<vmem>>
      %dma_wait3A_121 = tpu.memref_squeeze %dma_wait3A_120 : memref<1x128xi32, #tpu.memory_space<vmem>> -> memref<128xi32, #tpu.memory_space<vmem>>
      %dma_wait3A_122 = tpu.memref_slice %arg2[%add3A_4] : memref<819200xi32, #tpu.memory_space<hbm>> -> memref<128xi32, #tpu.memory_space<hbm>>
      %dma_wait3A_123 = arith.constant 0 : i32
      %dma_wait3A_124 = tpu.memref_slice %arg5[%run_scoped3A, %dma_wait3A_123] : memref<4x128xi32, #tpu.memory_space<vmem>> -> memref<1x128xi32, #tpu.memory_space<vmem>>
      %dma_wait3A_125 = tpu.memref_squeeze %dma_wait3A_124 : memref<1x128xi32, #tpu.memory_space<vmem>> -> memref<128xi32, #tpu.memory_space<vmem>>
      %dma_wait3A_126 = tpu.memref_slice %arg2[%add3A_4] : memref<819200xi32, #tpu.memory_space<hbm>> -> memref<128xi32, #tpu.memory_space<hbm>>
      tpu.wait_dma2 semaphore(%run_scoped3A_110 : memref<!tpu.dma_semaphore, #tpu.memory_space<semaphore_mem>>) src(%dma_wait3A_126 : memref<128xi32, #tpu.memory_space<hbm>>) dst(%dma_wait3A_125 : memref<128xi32, #tpu.memory_space<vmem>>)
      tpu.yield
    }) : () -> ()
    %dma_start3A = arith.constant 0 : i32
    %dma_start3A_5 = arith.constant 0 : i32
    %dma_start3A_6 = arith.constant 0 : i32
    %dma_start3A_7 = arith.constant 0 : i32
    %dma_start3A_8 = tpu.memref_slice %arg6[%dma_start3A_5, %dma_start3A_6, %dma_start3A_7] : memref<4x128x64xf32, #tpu.memory_space<vmem>> -> memref<1x128x64xf32, #tpu.memory_space<vmem>>
    %dma_start3A_9 = tpu.memref_squeeze %dma_start3A_8 : memref<1x128x64xf32, #tpu.memory_space<vmem>> -> memref<128x64xf32, #tpu.memory_space<vmem>>
    %dma_start3A_10 = arith.constant 0 : i32
    %dma_start3A_11 = tpu.memref_slice %arg5[%dma_start3A, %dma_start3A_10] : memref<4x128xi32, #tpu.memory_space<vmem>> -> memref<1x128xi32, #tpu.memory_space<vmem>>
    %dma_start3A_12 = tpu.memref_squeeze %dma_start3A_11 : memref<1x128xi32, #tpu.memory_space<vmem>> -> memref<128xi32, #tpu.memory_space<vmem>>
    %dma_start3A_13 = arith.constant 0 : i32
    %dma_start3A_14 = arith.constant 0 : i32
    %dma_start3A_15 = tpu.memref_slice %arg3[%dma_start3A_13, %dma_start3A_14] : memref<1000000x64xf32, #tpu.memory_space<hbm>> -> memref<1000000x64xf32, #tpu.memory_space<hbm>>
    tpu.enqueue_indirect_dma source(%dma_start3A_15 : memref<1000000x64xf32, #tpu.memory_space<hbm>>) target(%dma_start3A_9 : memref<128x64xf32, #tpu.memory_space<vmem>>) offsets(%dma_start3A_12 : memref<128xi32, #tpu.memory_space<vmem>>) semaphore(%arg7 : memref<!tpu.dma_semaphore, #tpu.memory_space<semaphore_mem>>)
    %add3A_16 = arith.constant 128 : i32
    %add3A_17 = arith.addi %mul3A_2, %add3A_16 : i32
    %run_scoped3A_18 = arith.constant 1 : i32
    "tpu.region"() ({
      %run_scoped3A_110 = tpu.sem_alloc : memref<!tpu.dma_semaphore, #tpu.memory_space<semaphore_mem>>
      %dma_start3A_111 = arith.constant 0 : i32
      %dma_start3A_112 = tpu.memref_slice %arg5[%run_scoped3A_18, %dma_start3A_111] : memref<4x128xi32, #tpu.memory_space<vmem>> -> memref<1x128xi32, #tpu.memory_space<vmem>>
      %dma_start3A_113 = tpu.memref_squeeze %dma_start3A_112 : memref<1x128xi32, #tpu.memory_space<vmem>> -> memref<128xi32, #tpu.memory_space<vmem>>
      %dma_start3A_114 = tpu.memref_slice %arg2[%add3A_17] : memref<819200xi32, #tpu.memory_space<hbm>> -> memref<128xi32, #tpu.memory_space<hbm>>
      %dma_start3A_115 = arith.constant 0 : i32
      %dma_start3A_116 = tpu.memref_slice %arg5[%run_scoped3A_18, %dma_start3A_115] : memref<4x128xi32, #tpu.memory_space<vmem>> -> memref<1x128xi32, #tpu.memory_space<vmem>>
      %dma_start3A_117 = tpu.memref_squeeze %dma_start3A_116 : memref<1x128xi32, #tpu.memory_space<vmem>> -> memref<128xi32, #tpu.memory_space<vmem>>
      %dma_start3A_118 = tpu.memref_slice %arg2[%add3A_17] : memref<819200xi32, #tpu.memory_space<hbm>> -> memref<128xi32, #tpu.memory_space<hbm>>
      tpu.enqueue_dma source(%dma_start3A_118 : memref<128xi32, #tpu.memory_space<hbm>>) target(%dma_start3A_117 : memref<128xi32, #tpu.memory_space<vmem>>) target_semaphore(%run_scoped3A_110 : memref<!tpu.dma_semaphore, #tpu.memory_space<semaphore_mem>>)
      %dma_wait3A_119 = arith.constant 0 : i32
      %dma_wait3A_120 = tpu.memref_slice %arg5[%run_scoped3A_18, %dma_wait3A_119] : memref<4x128xi32, #tpu.memory_space<vmem>> -> memref<1x128xi32, #tpu.memory_space<vmem>>
      %dma_wait3A_121 = tpu.memref_squeeze %dma_wait3A_120 : memref<1x128xi32, #tpu.memory_space<vmem>> -> memref<128xi32, #tpu.memory_space<vmem>>
      %dma_wait3A_122 = tpu.memref_slice %arg2[%add3A_17] : memref<819200xi32, #tpu.memory_space<hbm>> -> memref<128xi32, #tpu.memory_space<hbm>>
      %dma_wait3A_123 = arith.constant 0 : i32
      %dma_wait3A_124 = tpu.memref_slice %arg5[%run_scoped3A_18, %dma_wait3A_123] : memref<4x128xi32, #tpu.memory_space<vmem>> -> memref<1x128xi32, #tpu.memory_space<vmem>>
      %dma_wait3A_125 = tpu.memref_squeeze %dma_wait3A_124 : memref<1x128xi32, #tpu.memory_space<vmem>> -> memref<128xi32, #tpu.memory_space<vmem>>
      %dma_wait3A_126 = tpu.memref_slice %arg2[%add3A_17] : memref<819200xi32, #tpu.memory_space<hbm>> -> memref<128xi32, #tpu.memory_space<hbm>>
      tpu.wait_dma2 semaphore(%run_scoped3A_110 : memref<!tpu.dma_semaphore, #tpu.memory_space<semaphore_mem>>) src(%dma_wait3A_126 : memref<128xi32, #tpu.memory_space<hbm>>) dst(%dma_wait3A_125 : memref<128xi32, #tpu.memory_space<vmem>>)
      tpu.yield
    }) : () -> ()
    %dma_start3A_19 = arith.constant 1 : i32
    %dma_start3A_20 = arith.constant 1 : i32
    %dma_start3A_21 = arith.constant 0 : i32
    %dma_start3A_22 = arith.constant 0 : i32
    %dma_start3A_23 = tpu.memref_slice %arg6[%dma_start3A_20, %dma_start3A_21, %dma_start3A_22] : memref<4x128x64xf32, #tpu.memory_space<vmem>> -> memref<1x128x64xf32, #tpu.memory_space<vmem>>
    %dma_start3A_24 = tpu.memref_squeeze %dma_start3A_23 : memref<1x128x64xf32, #tpu.memory_space<vmem>> -> memref<128x64xf32, #tpu.memory_space<vmem>>
    %dma_start3A_25 = arith.constant 0 : i32
    %dma_start3A_26 = tpu.memref_slice %arg5[%dma_start3A_19, %dma_start3A_25] : memref<4x128xi32, #tpu.memory_space<vmem>> -> memref<1x128xi32, #tpu.memory_space<vmem>>
    %dma_start3A_27 = tpu.memref_squeeze %dma_start3A_26 : memref<1x128xi32, #tpu.memory_space<vmem>> -> memref<128xi32, #tpu.memory_space<vmem>>
    %dma_start3A_28 = arith.constant 0 : i32
    %dma_start3A_29 = arith.constant 0 : i32
    %dma_start3A_30 = tpu.memref_slice %arg3[%dma_start3A_28, %dma_start3A_29] : memref<1000000x64xf32, #tpu.memory_space<hbm>> -> memref<1000000x64xf32, #tpu.memory_space<hbm>>
    tpu.enqueue_indirect_dma source(%dma_start3A_30 : memref<1000000x64xf32, #tpu.memory_space<hbm>>) target(%dma_start3A_24 : memref<128x64xf32, #tpu.memory_space<vmem>>) offsets(%dma_start3A_27 : memref<128xi32, #tpu.memory_space<vmem>>) semaphore(%arg8 : memref<!tpu.dma_semaphore, #tpu.memory_space<semaphore_mem>>)
    %add3A_31 = arith.constant 256 : i32
    %add3A_32 = arith.addi %mul3A_2, %add3A_31 : i32
    %run_scoped3A_33 = arith.constant 2 : i32
    "tpu.region"() ({
      %run_scoped3A_110 = tpu.sem_alloc : memref<!tpu.dma_semaphore, #tpu.memory_space<semaphore_mem>>
      %dma_start3A_111 = arith.constant 0 : i32
      %dma_start3A_112 = tpu.memref_slice %arg5[%run_scoped3A_33, %dma_start3A_111] : memref<4x128xi32, #tpu.memory_space<vmem>> -> memref<1x128xi32, #tpu.memory_space<vmem>>
      %dma_start3A_113 = tpu.memref_squeeze %dma_start3A_112 : memref<1x128xi32, #tpu.memory_space<vmem>> -> memref<128xi32, #tpu.memory_space<vmem>>
      %dma_start3A_114 = tpu.memref_slice %arg2[%add3A_32] : memref<819200xi32, #tpu.memory_space<hbm>> -> memref<128xi32, #tpu.memory_space<hbm>>
      %dma_start3A_115 = arith.constant 0 : i32
      %dma_start3A_116 = tpu.memref_slice %arg5[%run_scoped3A_33, %dma_start3A_115] : memref<4x128xi32, #tpu.memory_space<vmem>> -> memref<1x128xi32, #tpu.memory_space<vmem>>
      %dma_start3A_117 = tpu.memref_squeeze %dma_start3A_116 : memref<1x128xi32, #tpu.memory_space<vmem>> -> memref<128xi32, #tpu.memory_space<vmem>>
      %dma_start3A_118 = tpu.memref_slice %arg2[%add3A_32] : memref<819200xi32, #tpu.memory_space<hbm>> -> memref<128xi32, #tpu.memory_space<hbm>>
      tpu.enqueue_dma source(%dma_start3A_118 : memref<128xi32, #tpu.memory_space<hbm>>) target(%dma_start3A_117 : memref<128xi32, #tpu.memory_space<vmem>>) target_semaphore(%run_scoped3A_110 : memref<!tpu.dma_semaphore, #tpu.memory_space<semaphore_mem>>)
      %dma_wait3A_119 = arith.constant 0 : i32
      %dma_wait3A_120 = tpu.memref_slice %arg5[%run_scoped3A_33, %dma_wait3A_119] : memref<4x128xi32, #tpu.memory_space<vmem>> -> memref<1x128xi32, #tpu.memory_space<vmem>>
      %dma_wait3A_121 = tpu.memref_squeeze %dma_wait3A_120 : memref<1x128xi32, #tpu.memory_space<vmem>> -> memref<128xi32, #tpu.memory_space<vmem>>
      %dma_wait3A_122 = tpu.memref_slice %arg2[%add3A_32] : memref<819200xi32, #tpu.memory_space<hbm>> -> memref<128xi32, #tpu.memory_space<hbm>>
      %dma_wait3A_123 = arith.constant 0 : i32
      %dma_wait3A_124 = tpu.memref_slice %arg5[%run_scoped3A_33, %dma_wait3A_123] : memref<4x128xi32, #tpu.memory_space<vmem>> -> memref<1x128xi32, #tpu.memory_space<vmem>>
      %dma_wait3A_125 = tpu.memref_squeeze %dma_wait3A_124 : memref<1x128xi32, #tpu.memory_space<vmem>> -> memref<128xi32, #tpu.memory_space<vmem>>
      %dma_wait3A_126 = tpu.memref_slice %arg2[%add3A_32] : memref<819200xi32, #tpu.memory_space<hbm>> -> memref<128xi32, #tpu.memory_space<hbm>>
      tpu.wait_dma2 semaphore(%run_scoped3A_110 : memref<!tpu.dma_semaphore, #tpu.memory_space<semaphore_mem>>) src(%dma_wait3A_126 : memref<128xi32, #tpu.memory_space<hbm>>) dst(%dma_wait3A_125 : memref<128xi32, #tpu.memory_space<vmem>>)
      tpu.yield
    }) : () -> ()
    %dma_start3A_34 = arith.constant 2 : i32
    %dma_start3A_35 = arith.constant 2 : i32
    %dma_start3A_36 = arith.constant 0 : i32
    %dma_start3A_37 = arith.constant 0 : i32
    %dma_start3A_38 = tpu.memref_slice %arg6[%dma_start3A_35, %dma_start3A_36, %dma_start3A_37] : memref<4x128x64xf32, #tpu.memory_space<vmem>> -> memref<1x128x64xf32, #tpu.memory_space<vmem>>
    %dma_start3A_39 = tpu.memref_squeeze %dma_start3A_38 : memref<1x128x64xf32, #tpu.memory_space<vmem>> -> memref<128x64xf32, #tpu.memory_space<vmem>>
    %dma_start3A_40 = arith.constant 0 : i32
    %dma_start3A_41 = tpu.memref_slice %arg5[%dma_start3A_34, %dma_start3A_40] : memref<4x128xi32, #tpu.memory_space<vmem>> -> memref<1x128xi32, #tpu.memory_space<vmem>>
    %dma_start3A_42 = tpu.memref_squeeze %dma_start3A_41 : memref<1x128xi32, #tpu.memory_space<vmem>> -> memref<128xi32, #tpu.memory_space<vmem>>
    %dma_start3A_43 = arith.constant 0 : i32
    %dma_start3A_44 = arith.constant 0 : i32
    %dma_start3A_45 = tpu.memref_slice %arg3[%dma_start3A_43, %dma_start3A_44] : memref<1000000x64xf32, #tpu.memory_space<hbm>> -> memref<1000000x64xf32, #tpu.memory_space<hbm>>
    tpu.enqueue_indirect_dma source(%dma_start3A_45 : memref<1000000x64xf32, #tpu.memory_space<hbm>>) target(%dma_start3A_39 : memref<128x64xf32, #tpu.memory_space<vmem>>) offsets(%dma_start3A_42 : memref<128xi32, #tpu.memory_space<vmem>>) semaphore(%arg9 : memref<!tpu.dma_semaphore, #tpu.memory_space<semaphore_mem>>)
    %scan3A = arith.constant 0 : i32
    %scan3A_46 = arith.constant 0 : i32
    %scan3A_47 = arith.constant 50 : i32
    %scan3A_48 = arith.addi %scan3A_46, %scan3A_47 : i32
    %scan3A_49 = arith.constant 1 : i32
    scf.for %scan3A_110 = %scan3A_46 to %scan3A_48 step %scan3A_49  : i32 {
      %mul3A_111 = arith.constant 4 : i32
      %mul3A_112 = arith.muli %scan3A_110, %mul3A_111 : i32
      %add3A_113 = arith.constant 0 : i32
      %add3A_114 = arith.addi %mul3A_112, %add3A_113 : i32
      %dma_wait3A_115 = arith.constant 0 : i32
      %dma_wait3A_116 = arith.constant 0 : i32
      %dma_wait3A_117 = arith.constant 0 : i32
      %dma_wait3A_118 = arith.constant 0 : i32
      %dma_wait3A_119 = tpu.memref_slice %arg6[%dma_wait3A_116, %dma_wait3A_117, %dma_wait3A_118] : memref<4x128x64xf32, #tpu.memory_space<vmem>> -> memref<1x128x64xf32, #tpu.memory_space<vmem>>
      %dma_wait3A_120 = tpu.memref_squeeze %dma_wait3A_119 : memref<1x128x64xf32, #tpu.memory_space<vmem>> -> memref<128x64xf32, #tpu.memory_space<vmem>>
      %dma_wait3A_121 = arith.constant 0 : i32
      %dma_wait3A_122 = tpu.memref_slice %arg5[%dma_wait3A_115, %dma_wait3A_121] : memref<4x128xi32, #tpu.memory_space<vmem>> -> memref<1x128xi32, #tpu.memory_space<vmem>>
      %dma_wait3A_123 = tpu.memref_squeeze %dma_wait3A_122 : memref<1x128xi32, #tpu.memory_space<vmem>> -> memref<128xi32, #tpu.memory_space<vmem>>
      %dma_wait3A_124 = arith.constant 0 : i32
      %dma_wait3A_125 = arith.constant 0 : i32
      %dma_wait3A_126 = tpu.memref_slice %arg3[%dma_wait3A_124, %dma_wait3A_125] : memref<1000000x64xf32, #tpu.memory_space<hbm>> -> memref<1000000x64xf32, #tpu.memory_space<hbm>>
      tpu.wait_indirect_dma semaphore(%arg7 : memref<!tpu.dma_semaphore, #tpu.memory_space<semaphore_mem>>) src(%dma_wait3A_126 : memref<1000000x64xf32, #tpu.memory_space<hbm>>) dst(%dma_wait3A_120 : memref<128x64xf32, #tpu.memory_space<vmem>>)
      %parallel_loop3A = arith.constant 0 : i32
      %parallel_loop3A_127 = arith.constant 128 : i32
      %parallel_loop3A_128 = arith.constant 1 : i32
      scf.for %parallel_loop3A_275 = %parallel_loop3A to %parallel_loop3A_127 step %parallel_loop3A_128  : i32 {
        %parallel_loop3A_276 = arith.constant 0 : i32
        %parallel_loop3A_277 = arith.index_cast %parallel_loop3A_276 : i32 to index
        %parallel_loop3A_278 = arith.index_cast %parallel_loop3A_275 : i32 to index
        %parallel_loop3A_279 = arith.constant 0 : index
        %parallel_loop3A_280 = tpu.vector_load %arg6[%parallel_loop3A_277, %parallel_loop3A_278, %parallel_loop3A_279] {strides = array<i32>} : memref<4x128x64xf32, #tpu.memory_space<vmem>>, vector<16xf32>,
        %parallel_loop3A_281 = arith.constant 8.000000e+00 : f32
        %parallel_loop3A_282 = vector.broadcast %parallel_loop3A_281 : f32 to vector<16xf32>
        %parallel_loop3A_283 = arith.mulf %parallel_loop3A_280, %parallel_loop3A_282 : vector<16xf32>
        %parallel_loop3A_284 = arith.constant 0 : i32
        %parallel_loop3A_285 = arith.index_cast %parallel_loop3A_284 : i32 to index
        %parallel_loop3A_286 = arith.index_cast %parallel_loop3A_275 : i32 to index
        %parallel_loop3A_287 = arith.constant 0 : index
        %parallel_loop3A_288 = tpu.vector_load %arg6[%parallel_loop3A_285, %parallel_loop3A_286, %parallel_loop3A_287] {strides = array<i32>} : memref<4x128x64xf32, #tpu.memory_space<vmem>>, vector<16xf32>,
        tpu.vector_store %arg6[%parallel_loop3A_285, %parallel_loop3A_286, %parallel_loop3A_287], %parallel_loop3A_283 {strides = array<i32>} : memref<4x128x64xf32, #tpu.memory_space<vmem>>, vector<16xf32>,
        %parallel_loop3A_289 = arith.constant 0 : i32
        %parallel_loop3A_290 = arith.index_cast %parallel_loop3A_289 : i32 to index
        %parallel_loop3A_291 = arith.index_cast %parallel_loop3A_275 : i32 to index
        %parallel_loop3A_292 = arith.constant 16 : index
        %parallel_loop3A_293 = tpu.vector_load %arg6[%parallel_loop3A_290, %parallel_loop3A_291, %parallel_loop3A_292] {strides = array<i32>} : memref<4x128x64xf32, #tpu.memory_space<vmem>>, vector<16xf32>,
        %parallel_loop3A_294 = arith.constant 8.000000e+00 : f32
        %parallel_loop3A_295 = vector.broadcast %parallel_loop3A_294 : f32 to vector<16xf32>
        %parallel_loop3A_296 = arith.mulf %parallel_loop3A_293, %parallel_loop3A_295 : vector<16xf32>
        %parallel_loop3A_297 = arith.constant 0 : i32
        %parallel_loop3A_298 = arith.index_cast %parallel_loop3A_297 : i32 to index
        %parallel_loop3A_299 = arith.index_cast %parallel_loop3A_275 : i32 to index
        %parallel_loop3A_300 = arith.constant 16 : index
        %parallel_loop3A_301 = tpu.vector_load %arg6[%parallel_loop3A_298, %parallel_loop3A_299, %parallel_loop3A_300] {strides = array<i32>} : memref<4x128x64xf32, #tpu.memory_space<vmem>>, vector<16xf32>,
        tpu.vector_store %arg6[%parallel_loop3A_298, %parallel_loop3A_299, %parallel_loop3A_300], %parallel_loop3A_296 {strides = array<i32>} : memref<4x128x64xf32, #tpu.memory_space<vmem>>, vector<16xf32>,
        %parallel_loop3A_302 = arith.constant 0 : i32
        %parallel_loop3A_303 = arith.index_cast %parallel_loop3A_302 : i32 to index
        %parallel_loop3A_304 = arith.index_cast %parallel_loop3A_275 : i32 to index
        %parallel_loop3A_305 = arith.constant 32 : index
        %parallel_loop3A_306 = tpu.vector_load %arg6[%parallel_loop3A_303, %parallel_loop3A_304, %parallel_loop3A_305] {strides = array<i32>} : memref<4x128x64xf32, #tpu.memory_space<vmem>>, vector<16xf32>,
        %parallel_loop3A_307 = arith.constant 8.000000e+00 : f32
        %parallel_loop3A_308 = vector.broadcast %parallel_loop3A_307 : f32 to vector<16xf32>
        %parallel_loop3A_309 = arith.mulf %parallel_loop3A_306, %parallel_loop3A_308 : vector<16xf32>
        %parallel_loop3A_310 = arith.constant 0 : i32
        %parallel_loop3A_311 = arith.index_cast %parallel_loop3A_310 : i32 to index
        %parallel_loop3A_312 = arith.index_cast %parallel_loop3A_275 : i32 to index
        %parallel_loop3A_313 = arith.constant 32 : index
        %parallel_loop3A_314 = tpu.vector_load %arg6[%parallel_loop3A_311, %parallel_loop3A_312, %parallel_loop3A_313] {strides = array<i32>} : memref<4x128x64xf32, #tpu.memory_space<vmem>>, vector<16xf32>,
        tpu.vector_store %arg6[%parallel_loop3A_311, %parallel_loop3A_312, %parallel_loop3A_313], %parallel_loop3A_309 {strides = array<i32>} : memref<4x128x64xf32, #tpu.memory_space<vmem>>, vector<16xf32>,
        %parallel_loop3A_315 = arith.constant 0 : i32
        %parallel_loop3A_316 = arith.index_cast %parallel_loop3A_315 : i32 to index
        %parallel_loop3A_317 = arith.index_cast %parallel_loop3A_275 : i32 to index
        %parallel_loop3A_318 = arith.constant 48 : index
        %parallel_loop3A_319 = tpu.vector_load %arg6[%parallel_loop3A_316, %parallel_loop3A_317, %parallel_loop3A_318] {strides = array<i32>} : memref<4x128x64xf32, #tpu.memory_space<vmem>>, vector<16xf32>,
        %parallel_loop3A_320 = arith.constant 8.000000e+00 : f32
        %parallel_loop3A_321 = vector.broadcast %parallel_loop3A_320 : f32 to vector<16xf32>
        %parallel_loop3A_322 = arith.mulf %parallel_loop3A_319, %parallel_loop3A_321 : vector<16xf32>
        %parallel_loop3A_323 = arith.constant 0 : i32
        %parallel_loop3A_324 = arith.index_cast %parallel_loop3A_323 : i32 to index
        %parallel_loop3A_325 = arith.index_cast %parallel_loop3A_275 : i32 to index
        %parallel_loop3A_326 = arith.constant 48 : index
        %parallel_loop3A_327 = tpu.vector_load %arg6[%parallel_loop3A_324, %parallel_loop3A_325, %parallel_loop3A_326] {strides = array<i32>} : memref<4x128x64xf32, #tpu.memory_space<vmem>>, vector<16xf32>,
        tpu.vector_store %arg6[%parallel_loop3A_324, %parallel_loop3A_325, %parallel_loop3A_326], %parallel_loop3A_322 {strides = array<i32>} : memref<4x128x64xf32, #tpu.memory_space<vmem>>, vector<16xf32>,
      } {sc.loop_unroll_factor = 4 : i64, sc.parallel_access}
      %mul3A_129 = arith.constant 128 : i32
      %mul3A_130 = arith.muli %add3A_114, %mul3A_129 : i32
      %add3A_131 = arith.addi %mul3A_2, %mul3A_130 : i32
      %dma_start3A_132 = arith.constant 0 : i32
      %dma_start3A_133 = arith.constant 0 : i32
      %dma_start3A_134 = arith.constant 0 : i32
      %dma_start3A_135 = tpu.memref_slice %arg6[%dma_start3A_132, %dma_start3A_133, %dma_start3A_134] : memref<4x128x64xf32, #tpu.memory_space<vmem>> -> memref<1x128x64xf32, #tpu.memory_space<vmem>>
      %dma_start3A_136 = tpu.memref_squeeze %dma_start3A_135 : memref<1x128x64xf32, #tpu.memory_space<vmem>> -> memref<128x64xf32, #tpu.memory_space<vmem>>
      %dma_start3A_137 = arith.constant 0 : i32
      %dma_start3A_138 = tpu.memref_slice %arg4[%add3A_131, %dma_start3A_137] : memref<819200x64xf32, #tpu.memory_space<hbm>> -> memref<128x64xf32, #tpu.memory_space<hbm>>
      %dma_start3A_139 = arith.constant 0 : i32
      %dma_start3A_140 = tpu.memref_slice %arg4[%add3A_131, %dma_start3A_139] : memref<819200x64xf32, #tpu.memory_space<hbm>> -> memref<128x64xf32, #tpu.memory_space<hbm>>
      %dma_start3A_141 = arith.constant 0 : i32
      %dma_start3A_142 = arith.constant 0 : i32
      %dma_start3A_143 = tpu.memref_slice %arg6[%dma_start3A_132, %dma_start3A_141, %dma_start3A_142] : memref<4x128x64xf32, #tpu.memory_space<vmem>> -> memref<1x128x64xf32, #tpu.memory_space<vmem>>
      %dma_start3A_144 = tpu.memref_squeeze %dma_start3A_143 : memref<1x128x64xf32, #tpu.memory_space<vmem>> -> memref<128x64xf32, #tpu.memory_space<vmem>>
      tpu.enqueue_dma source(%dma_start3A_144 : memref<128x64xf32, #tpu.memory_space<vmem>>) target(%dma_start3A_140 : memref<128x64xf32, #tpu.memory_space<hbm>>) target_semaphore(%arg11 : memref<!tpu.dma_semaphore, #tpu.memory_space<semaphore_mem>>)
      %add3A_145 = arith.constant 3 : i32
      %add3A_146 = arith.addi %add3A_114, %add3A_145 : i32
      %lt3A = arith.constant 200 : i32
      %lt3A_147 = arith.cmpi slt, %add3A_146, %lt3A : i32
      %convert_element_type3A = arith.extui %lt3A_147 : i1 to i32
      %cond3A = arith.constant 0 : i32
      %cond3A_148 = arith.cmpi ne, %convert_element_type3A, %cond3A : i32
      scf.if %cond3A_148 {
        %ge3A = arith.constant 4 : i32
        %ge3A_275 = arith.cmpi sge, %add3A_146, %ge3A : i32
        %convert_element_type3A_276 = arith.extui %ge3A_275 : i1 to i32
        %cond3A_277 = arith.constant 0 : i32
        %cond3A_278 = arith.cmpi ne, %convert_element_type3A_276, %cond3A_277 : i32
        scf.if %cond3A_278 {
          %dma_wait3A_295 = arith.constant 3 : i32
          %dma_wait3A_296 = arith.constant 0 : i32
          %dma_wait3A_297 = arith.constant 0 : i32
          %dma_wait3A_298 = tpu.memref_slice %arg6[%dma_wait3A_295, %dma_wait3A_296, %dma_wait3A_297] : memref<4x128x64xf32, #tpu.memory_space<vmem>> -> memref<1x128x64xf32, #tpu.memory_space<vmem>>
          %dma_wait3A_299 = tpu.memref_squeeze %dma_wait3A_298 : memref<1x128x64xf32, #tpu.memory_space<vmem>> -> memref<128x64xf32, #tpu.memory_space<vmem>>
          %dma_wait3A_300 = arith.constant 0 : i32
          %dma_wait3A_301 = arith.constant 0 : i32
          %dma_wait3A_302 = tpu.memref_slice %arg4[%dma_wait3A_300, %dma_wait3A_301] : memref<819200x64xf32, #tpu.memory_space<hbm>> -> memref<128x64xf32, #tpu.memory_space<hbm>>
          %dma_wait3A_303 = arith.constant 0 : i32
          %dma_wait3A_304 = arith.constant 0 : i32
          %dma_wait3A_305 = tpu.memref_slice %arg4[%dma_wait3A_303, %dma_wait3A_304] : memref<819200x64xf32, #tpu.memory_space<hbm>> -> memref<128x64xf32, #tpu.memory_space<hbm>>
          %dma_wait3A_306 = arith.constant 0 : i32
          %dma_wait3A_307 = arith.constant 0 : i32
          %dma_wait3A_308 = tpu.memref_slice %arg6[%dma_wait3A_295, %dma_wait3A_306, %dma_wait3A_307] : memref<4x128x64xf32, #tpu.memory_space<vmem>> -> memref<1x128x64xf32, #tpu.memory_space<vmem>>
          %dma_wait3A_309 = tpu.memref_squeeze %dma_wait3A_308 : memref<1x128x64xf32, #tpu.memory_space<vmem>> -> memref<128x64xf32, #tpu.memory_space<vmem>>
          tpu.wait_dma2 semaphore(%arg14 : memref<!tpu.dma_semaphore, #tpu.memory_space<semaphore_mem>>) src(%dma_wait3A_309 : memref<128x64xf32, #tpu.memory_space<vmem>>) dst(%dma_wait3A_305 : memref<128x64xf32, #tpu.memory_space<hbm>>)
        } else {
        }
        %mul3A_279 = arith.constant 128 : i32
        %mul3A_280 = arith.muli %add3A_146, %mul3A_279 : i32
        %add3A_281 = arith.addi %mul3A_2, %mul3A_280 : i32
        %run_scoped3A_282 = arith.constant 3 : i32
        "tpu.region"() ({
          %run_scoped3A_295 = tpu.sem_alloc : memref<!tpu.dma_semaphore, #tpu.memory_space<semaphore_mem>>
          %dma_start3A_296 = arith.constant 0 : i32
          %dma_start3A_297 = tpu.memref_slice %arg5[%run_scoped3A_282, %dma_start3A_296] : memref<4x128xi32, #tpu.memory_space<vmem>> -> memref<1x128xi32, #tpu.memory_space<vmem>>
          %dma_start3A_298 = tpu.memref_squeeze %dma_start3A_297 : memref<1x128xi32, #tpu.memory_space<vmem>> -> memref<128xi32, #tpu.memory_space<vmem>>
          %dma_start3A_299 = tpu.memref_slice %arg2[%add3A_281] : memref<819200xi32, #tpu.memory_space<hbm>> -> memref<128xi32, #tpu.memory_space<hbm>>
          %dma_start3A_300 = arith.constant 0 : i32
          %dma_start3A_301 = tpu.memref_slice %arg5[%run_scoped3A_282, %dma_start3A_300] : memref<4x128xi32, #tpu.memory_space<vmem>> -> memref<1x128xi32, #tpu.memory_space<vmem>>
          %dma_start3A_302 = tpu.memref_squeeze %dma_start3A_301 : memref<1x128xi32, #tpu.memory_space<vmem>> -> memref<128xi32, #tpu.memory_space<vmem>>
          %dma_start3A_303 = tpu.memref_slice %arg2[%add3A_281] : memref<819200xi32, #tpu.memory_space<hbm>> -> memref<128xi32, #tpu.memory_space<hbm>>
          tpu.enqueue_dma source(%dma_start3A_303 : memref<128xi32, #tpu.memory_space<hbm>>) target(%dma_start3A_302 : memref<128xi32, #tpu.memory_space<vmem>>) target_semaphore(%run_scoped3A_295 : memref<!tpu.dma_semaphore, #tpu.memory_space<semaphore_mem>>)
          %dma_wait3A_304 = arith.constant 0 : i32
          %dma_wait3A_305 = tpu.memref_slice %arg5[%run_scoped3A_282, %dma_wait3A_304] : memref<4x128xi32, #tpu.memory_space<vmem>> -> memref<1x128xi32, #tpu.memory_space<vmem>>
          %dma_wait3A_306 = tpu.memref_squeeze %dma_wait3A_305 : memref<1x128xi32, #tpu.memory_space<vmem>> -> memref<128xi32, #tpu.memory_space<vmem>>
          %dma_wait3A_307 = tpu.memref_slice %arg2[%add3A_281] : memref<819200xi32, #tpu.memory_space<hbm>> -> memref<128xi32, #tpu.memory_space<hbm>>
          %dma_wait3A_308 = arith.constant 0 : i32
          %dma_wait3A_309 = tpu.memref_slice %arg5[%run_scoped3A_282, %dma_wait3A_308] : memref<4x128xi32, #tpu.memory_space<vmem>> -> memref<1x128xi32, #tpu.memory_space<vmem>>
          %dma_wait3A_310 = tpu.memref_squeeze %dma_wait3A_309 : memref<1x128xi32, #tpu.memory_space<vmem>> -> memref<128xi32, #tpu.memory_space<vmem>>
          %dma_wait3A_311 = tpu.memref_slice %arg2[%add3A_281] : memref<819200xi32, #tpu.memory_space<hbm>> -> memref<128xi32, #tpu.memory_space<hbm>>
          tpu.wait_dma2 semaphore(%run_scoped3A_295 : memref<!tpu.dma_semaphore, #tpu.memory_space<semaphore_mem>>) src(%dma_wait3A_311 : memref<128xi32, #tpu.memory_space<hbm>>) dst(%dma_wait3A_310 : memref<128xi32, #tpu.memory_space<vmem>>)
          tpu.yield
        }) : () -> ()
        %dma_start3A_283 = arith.constant 3 : i32
        %dma_start3A_284 = arith.constant 3 : i32
        %dma_start3A_285 = arith.constant 0 : i32
        %dma_start3A_286 = arith.constant 0 : i32
        %dma_start3A_287 = tpu.memref_slice %arg6[%dma_start3A_284, %dma_start3A_285, %dma_start3A_286] : memref<4x128x64xf32, #tpu.memory_space<vmem>> -> memref<1x128x64xf32, #tpu.memory_space<vmem>>
        %dma_start3A_288 = tpu.memref_squeeze %dma_start3A_287 : memref<1x128x64xf32, #tpu.memory_space<vmem>> -> memref<128x64xf32, #tpu.memory_space<vmem>>
        %dma_start3A_289 = arith.constant 0 : i32
        %dma_start3A_290 = tpu.memref_slice %arg5[%dma_start3A_283, %dma_start3A_289] : memref<4x128xi32, #tpu.memory_space<vmem>> -> memref<1x128xi32, #tpu.memory_space<vmem>>
        %dma_start3A_291 = tpu.memref_squeeze %dma_start3A_290 : memref<1x128xi32, #tpu.memory_space<vmem>> -> memref<128xi32, #tpu.memory_space<vmem>>
        %dma_start3A_292 = arith.constant 0 : i32
        %dma_start3A_293 = arith.constant 0 : i32
        %dma_start3A_294 = tpu.memref_slice %arg3[%dma_start3A_292, %dma_start3A_293] : memref<1000000x64xf32, #tpu.memory_space<hbm>> -> memref<1000000x64xf32, #tpu.memory_space<hbm>>
        tpu.enqueue_indirect_dma source(%dma_start3A_294 : memref<1000000x64xf32, #tpu.memory_space<hbm>>) target(%dma_start3A_288 : memref<128x64xf32, #tpu.memory_space<vmem>>) offsets(%dma_start3A_291 : memref<128xi32, #tpu.memory_space<vmem>>) semaphore(%arg10 : memref<!tpu.dma_semaphore, #tpu.memory_space<semaphore_mem>>)
      } else {
      }
      %mul3A_149 = arith.constant 4 : i32
      %mul3A_150 = arith.muli %scan3A_110, %mul3A_149 : i32
      %add3A_151 = arith.constant 1 : i32
      %add3A_152 = arith.addi %mul3A_150, %add3A_151 : i32
      %dma_wait3A_153 = arith.constant 1 : i32
      %dma_wait3A_154 = arith.constant 1 : i32
      %dma_wait3A_155 = arith.constant 0 : i32
      %dma_wait3A_156 = arith.constant 0 : i32
      %dma_wait3A_157 = tpu.memref_slice %arg6[%dma_wait3A_154, %dma_wait3A_155, %dma_wait3A_156] : memref<4x128x64xf32, #tpu.memory_space<vmem>> -> memref<1x128x64xf32, #tpu.memory_space<vmem>>
      %dma_wait3A_158 = tpu.memref_squeeze %dma_wait3A_157 : memref<1x128x64xf32, #tpu.memory_space<vmem>> -> memref<128x64xf32, #tpu.memory_space<vmem>>
      %dma_wait3A_159 = arith.constant 0 : i32
      %dma_wait3A_160 = tpu.memref_slice %arg5[%dma_wait3A_153, %dma_wait3A_159] : memref<4x128xi32, #tpu.memory_space<vmem>> -> memref<1x128xi32, #tpu.memory_space<vmem>>
      %dma_wait3A_161 = tpu.memref_squeeze %dma_wait3A_160 : memref<1x128xi32, #tpu.memory_space<vmem>> -> memref<128xi32, #tpu.memory_space<vmem>>
      %dma_wait3A_162 = arith.constant 0 : i32
      %dma_wait3A_163 = arith.constant 0 : i32
      %dma_wait3A_164 = tpu.memref_slice %arg3[%dma_wait3A_162, %dma_wait3A_163] : memref<1000000x64xf32, #tpu.memory_space<hbm>> -> memref<1000000x64xf32, #tpu.memory_space<hbm>>
      tpu.wait_indirect_dma semaphore(%arg8 : memref<!tpu.dma_semaphore, #tpu.memory_space<semaphore_mem>>) src(%dma_wait3A_164 : memref<1000000x64xf32, #tpu.memory_space<hbm>>) dst(%dma_wait3A_158 : memref<128x64xf32, #tpu.memory_space<vmem>>)
      %parallel_loop3A_165 = arith.constant 0 : i32
      %parallel_loop3A_166 = arith.constant 128 : i32
      %parallel_loop3A_167 = arith.constant 1 : i32
      scf.for %parallel_loop3A_275 = %parallel_loop3A_165 to %parallel_loop3A_166 step %parallel_loop3A_167  : i32 {
        %parallel_loop3A_276 = arith.constant 1 : i32
        %parallel_loop3A_277 = arith.index_cast %parallel_loop3A_276 : i32 to index
        %parallel_loop3A_278 = arith.index_cast %parallel_loop3A_275 : i32 to index
        %parallel_loop3A_279 = arith.constant 0 : index
        %parallel_loop3A_280 = tpu.vector_load %arg6[%parallel_loop3A_277, %parallel_loop3A_278, %parallel_loop3A_279] {strides = array<i32>} : memref<4x128x64xf32, #tpu.memory_space<vmem>>, vector<16xf32>,
        %parallel_loop3A_281 = arith.constant 8.000000e+00 : f32
        %parallel_loop3A_282 = vector.broadcast %parallel_loop3A_281 : f32 to vector<16xf32>
        %parallel_loop3A_283 = arith.mulf %parallel_loop3A_280, %parallel_loop3A_282 : vector<16xf32>
        %parallel_loop3A_284 = arith.constant 1 : i32
        %parallel_loop3A_285 = arith.index_cast %parallel_loop3A_284 : i32 to index
        %parallel_loop3A_286 = arith.index_cast %parallel_loop3A_275 : i32 to index
        %parallel_loop3A_287 = arith.constant 0 : index
        %parallel_loop3A_288 = tpu.vector_load %arg6[%parallel_loop3A_285, %parallel_loop3A_286, %parallel_loop3A_287] {strides = array<i32>} : memref<4x128x64xf32, #tpu.memory_space<vmem>>, vector<16xf32>,
        tpu.vector_store %arg6[%parallel_loop3A_285, %parallel_loop3A_286, %parallel_loop3A_287], %parallel_loop3A_283 {strides = array<i32>} : memref<4x128x64xf32, #tpu.memory_space<vmem>>, vector<16xf32>,
        %parallel_loop3A_289 = arith.constant 1 : i32
        %parallel_loop3A_290 = arith.index_cast %parallel_loop3A_289 : i32 to index
        %parallel_loop3A_291 = arith.index_cast %parallel_loop3A_275 : i32 to index
        %parallel_loop3A_292 = arith.constant 16 : index
        %parallel_loop3A_293 = tpu.vector_load %arg6[%parallel_loop3A_290, %parallel_loop3A_291, %parallel_loop3A_292] {strides = array<i32>} : memref<4x128x64xf32, #tpu.memory_space<vmem>>, vector<16xf32>,
        %parallel_loop3A_294 = arith.constant 8.000000e+00 : f32
        %parallel_loop3A_295 = vector.broadcast %parallel_loop3A_294 : f32 to vector<16xf32>
        %parallel_loop3A_296 = arith.mulf %parallel_loop3A_293, %parallel_loop3A_295 : vector<16xf32>
        %parallel_loop3A_297 = arith.constant 1 : i32
        %parallel_loop3A_298 = arith.index_cast %parallel_loop3A_297 : i32 to index
        %parallel_loop3A_299 = arith.index_cast %parallel_loop3A_275 : i32 to index
        %parallel_loop3A_300 = arith.constant 16 : index
        %parallel_loop3A_301 = tpu.vector_load %arg6[%parallel_loop3A_298, %parallel_loop3A_299, %parallel_loop3A_300] {strides = array<i32>} : memref<4x128x64xf32, #tpu.memory_space<vmem>>, vector<16xf32>,
        tpu.vector_store %arg6[%parallel_loop3A_298, %parallel_loop3A_299, %parallel_loop3A_300], %parallel_loop3A_296 {strides = array<i32>} : memref<4x128x64xf32, #tpu.memory_space<vmem>>, vector<16xf32>,
        %parallel_loop3A_302 = arith.constant 1 : i32
        %parallel_loop3A_303 = arith.index_cast %parallel_loop3A_302 : i32 to index
        %parallel_loop3A_304 = arith.index_cast %parallel_loop3A_275 : i32 to index
        %parallel_loop3A_305 = arith.constant 32 : index
        %parallel_loop3A_306 = tpu.vector_load %arg6[%parallel_loop3A_303, %parallel_loop3A_304, %parallel_loop3A_305] {strides = array<i32>} : memref<4x128x64xf32, #tpu.memory_space<vmem>>, vector<16xf32>,
        %parallel_loop3A_307 = arith.constant 8.000000e+00 : f32
        %parallel_loop3A_308 = vector.broadcast %parallel_loop3A_307 : f32 to vector<16xf32>
        %parallel_loop3A_309 = arith.mulf %parallel_loop3A_306, %parallel_loop3A_308 : vector<16xf32>
        %parallel_loop3A_310 = arith.constant 1 : i32
        %parallel_loop3A_311 = arith.index_cast %parallel_loop3A_310 : i32 to index
        %parallel_loop3A_312 = arith.index_cast %parallel_loop3A_275 : i32 to index
        %parallel_loop3A_313 = arith.constant 32 : index
        %parallel_loop3A_314 = tpu.vector_load %arg6[%parallel_loop3A_311, %parallel_loop3A_312, %parallel_loop3A_313] {strides = array<i32>} : memref<4x128x64xf32, #tpu.memory_space<vmem>>, vector<16xf32>,
        tpu.vector_store %arg6[%parallel_loop3A_311, %parallel_loop3A_312, %parallel_loop3A_313], %parallel_loop3A_309 {strides = array<i32>} : memref<4x128x64xf32, #tpu.memory_space<vmem>>, vector<16xf32>,
        %parallel_loop3A_315 = arith.constant 1 : i32
        %parallel_loop3A_316 = arith.index_cast %parallel_loop3A_315 : i32 to index
        %parallel_loop3A_317 = arith.index_cast %parallel_loop3A_275 : i32 to index
        %parallel_loop3A_318 = arith.constant 48 : index
        %parallel_loop3A_319 = tpu.vector_load %arg6[%parallel_loop3A_316, %parallel_loop3A_317, %parallel_loop3A_318] {strides = array<i32>} : memref<4x128x64xf32, #tpu.memory_space<vmem>>, vector<16xf32>,
        %parallel_loop3A_320 = arith.constant 8.000000e+00 : f32
        %parallel_loop3A_321 = vector.broadcast %parallel_loop3A_320 : f32 to vector<16xf32>
        %parallel_loop3A_322 = arith.mulf %parallel_loop3A_319, %parallel_loop3A_321 : vector<16xf32>
        %parallel_loop3A_323 = arith.constant 1 : i32
        %parallel_loop3A_324 = arith.index_cast %parallel_loop3A_323 : i32 to index
        %parallel_loop3A_325 = arith.index_cast %parallel_loop3A_275 : i32 to index
        %parallel_loop3A_326 = arith.constant 48 : index
        %parallel_loop3A_327 = tpu.vector_load %arg6[%parallel_loop3A_324, %parallel_loop3A_325, %parallel_loop3A_326] {strides = array<i32>} : memref<4x128x64xf32, #tpu.memory_space<vmem>>, vector<16xf32>,
        tpu.vector_store %arg6[%parallel_loop3A_324, %parallel_loop3A_325, %parallel_loop3A_326], %parallel_loop3A_322 {strides = array<i32>} : memref<4x128x64xf32, #tpu.memory_space<vmem>>, vector<16xf32>,
      } {sc.loop_unroll_factor = 4 : i64, sc.parallel_access}
      %mul3A_168 = arith.constant 128 : i32
      %mul3A_169 = arith.muli %add3A_152, %mul3A_168 : i32
      %add3A_170 = arith.addi %mul3A_2, %mul3A_169 : i32
      %dma_start3A_171 = arith.constant 1 : i32
      %dma_start3A_172 = arith.constant 0 : i32
      %dma_start3A_173 = arith.constant 0 : i32
      %dma_start3A_174 = tpu.memref_slice %arg6[%dma_start3A_171, %dma_start3A_172, %dma_start3A_173] : memref<4x128x64xf32, #tpu.memory_space<vmem>> -> memref<1x128x64xf32, #tpu.memory_space<vmem>>
      %dma_start3A_175 = tpu.memref_squeeze %dma_start3A_174 : memref<1x128x64xf32, #tpu.memory_space<vmem>> -> memref<128x64xf32, #tpu.memory_space<vmem>>
      %dma_start3A_176 = arith.constant 0 : i32
      %dma_start3A_177 = tpu.memref_slice %arg4[%add3A_170, %dma_start3A_176] : memref<819200x64xf32, #tpu.memory_space<hbm>> -> memref<128x64xf32, #tpu.memory_space<hbm>>
      %dma_start3A_178 = arith.constant 0 : i32
      %dma_start3A_179 = tpu.memref_slice %arg4[%add3A_170, %dma_start3A_178] : memref<819200x64xf32, #tpu.memory_space<hbm>> -> memref<128x64xf32, #tpu.memory_space<hbm>>
      %dma_start3A_180 = arith.constant 0 : i32
      %dma_start3A_181 = arith.constant 0 : i32
      %dma_start3A_182 = tpu.memref_slice %arg6[%dma_start3A_171, %dma_start3A_180, %dma_start3A_181] : memref<4x128x64xf32, #tpu.memory_space<vmem>> -> memref<1x128x64xf32, #tpu.memory_space<vmem>>
      %dma_start3A_183 = tpu.memref_squeeze %dma_start3A_182 : memref<1x128x64xf32, #tpu.memory_space<vmem>> -> memref<128x64xf32, #tpu.memory_space<vmem>>
      tpu.enqueue_dma source(%dma_start3A_183 : memref<128x64xf32, #tpu.memory_space<vmem>>) target(%dma_start3A_179 : memref<128x64xf32, #tpu.memory_space<hbm>>) target_semaphore(%arg12 : memref<!tpu.dma_semaphore, #tpu.memory_space<semaphore_mem>>)
      %add3A_184 = arith.constant 3 : i32
      %add3A_185 = arith.addi %add3A_152, %add3A_184 : i32
      %lt3A_186 = arith.constant 200 : i32
      %lt3A_187 = arith.cmpi slt, %add3A_185, %lt3A_186 : i32
      %convert_element_type3A_188 = arith.extui %lt3A_187 : i1 to i32
      %cond3A_189 = arith.constant 0 : i32
      %cond3A_190 = arith.cmpi ne, %convert_element_type3A_188, %cond3A_189 : i32
      scf.if %cond3A_190 {
        %ge3A = arith.constant 4 : i32
        %ge3A_275 = arith.cmpi sge, %add3A_185, %ge3A : i32
        %convert_element_type3A_276 = arith.extui %ge3A_275 : i1 to i32
        %cond3A_277 = arith.constant 0 : i32
        %cond3A_278 = arith.cmpi ne, %convert_element_type3A_276, %cond3A_277 : i32
        scf.if %cond3A_278 {
          %dma_wait3A_295 = arith.constant 0 : i32
          %dma_wait3A_296 = arith.constant 0 : i32
          %dma_wait3A_297 = arith.constant 0 : i32
          %dma_wait3A_298 = tpu.memref_slice %arg6[%dma_wait3A_295, %dma_wait3A_296, %dma_wait3A_297] : memref<4x128x64xf32, #tpu.memory_space<vmem>> -> memref<1x128x64xf32, #tpu.memory_space<vmem>>
          %dma_wait3A_299 = tpu.memref_squeeze %dma_wait3A_298 : memref<1x128x64xf32, #tpu.memory_space<vmem>> -> memref<128x64xf32, #tpu.memory_space<vmem>>
          %dma_wait3A_300 = arith.constant 0 : i32
          %dma_wait3A_301 = arith.constant 0 : i32
          %dma_wait3A_302 = tpu.memref_slice %arg4[%dma_wait3A_300, %dma_wait3A_301] : memref<819200x64xf32, #tpu.memory_space<hbm>> -> memref<128x64xf32, #tpu.memory_space<hbm>>
          %dma_wait3A_303 = arith.constant 0 : i32
          %dma_wait3A_304 = arith.constant 0 : i32
          %dma_wait3A_305 = tpu.memref_slice %arg4[%dma_wait3A_303, %dma_wait3A_304] : memref<819200x64xf32, #tpu.memory_space<hbm>> -> memref<128x64xf32, #tpu.memory_space<hbm>>
          %dma_wait3A_306 = arith.constant 0 : i32
          %dma_wait3A_307 = arith.constant 0 : i32
          %dma_wait3A_308 = tpu.memref_slice %arg6[%dma_wait3A_295, %dma_wait3A_306, %dma_wait3A_307] : memref<4x128x64xf32, #tpu.memory_space<vmem>> -> memref<1x128x64xf32, #tpu.memory_space<vmem>>
          %dma_wait3A_309 = tpu.memref_squeeze %dma_wait3A_308 : memref<1x128x64xf32, #tpu.memory_space<vmem>> -> memref<128x64xf32, #tpu.memory_space<vmem>>
          tpu.wait_dma2 semaphore(%arg11 : memref<!tpu.dma_semaphore, #tpu.memory_space<semaphore_mem>>) src(%dma_wait3A_309 : memref<128x64xf32, #tpu.memory_space<vmem>>) dst(%dma_wait3A_305 : memref<128x64xf32, #tpu.memory_space<hbm>>)
        } else {
        }
        %mul3A_279 = arith.constant 128 : i32
        %mul3A_280 = arith.muli %add3A_185, %mul3A_279 : i32
        %add3A_281 = arith.addi %mul3A_2, %mul3A_280 : i32
        %run_scoped3A_282 = arith.constant 0 : i32
        "tpu.region"() ({
          %run_scoped3A_295 = tpu.sem_alloc : memref<!tpu.dma_semaphore, #tpu.memory_space<semaphore_mem>>
          %dma_start3A_296 = arith.constant 0 : i32
          %dma_start3A_297 = tpu.memref_slice %arg5[%run_scoped3A_282, %dma_start3A_296] : memref<4x128xi32, #tpu.memory_space<vmem>> -> memref<1x128xi32, #tpu.memory_space<vmem>>
          %dma_start3A_298 = tpu.memref_squeeze %dma_start3A_297 : memref<1x128xi32, #tpu.memory_space<vmem>> -> memref<128xi32, #tpu.memory_space<vmem>>
          %dma_start3A_299 = tpu.memref_slice %arg2[%add3A_281] : memref<819200xi32, #tpu.memory_space<hbm>> -> memref<128xi32, #tpu.memory_space<hbm>>
          %dma_start3A_300 = arith.constant 0 : i32
          %dma_start3A_301 = tpu.memref_slice %arg5[%run_scoped3A_282, %dma_start3A_300] : memref<4x128xi32, #tpu.memory_space<vmem>> -> memref<1x128xi32, #tpu.memory_space<vmem>>
          %dma_start3A_302 = tpu.memref_squeeze %dma_start3A_301 : memref<1x128xi32, #tpu.memory_space<vmem>> -> memref<128xi32, #tpu.memory_space<vmem>>
          %dma_start3A_303 = tpu.memref_slice %arg2[%add3A_281] : memref<819200xi32, #tpu.memory_space<hbm>> -> memref<128xi32, #tpu.memory_space<hbm>>
          tpu.enqueue_dma source(%dma_start3A_303 : memref<128xi32, #tpu.memory_space<hbm>>) target(%dma_start3A_302 : memref<128xi32, #tpu.memory_space<vmem>>) target_semaphore(%run_scoped3A_295 : memref<!tpu.dma_semaphore, #tpu.memory_space<semaphore_mem>>)
          %dma_wait3A_304 = arith.constant 0 : i32
          %dma_wait3A_305 = tpu.memref_slice %arg5[%run_scoped3A_282, %dma_wait3A_304] : memref<4x128xi32, #tpu.memory_space<vmem>> -> memref<1x128xi32, #tpu.memory_space<vmem>>
          %dma_wait3A_306 = tpu.memref_squeeze %dma_wait3A_305 : memref<1x128xi32, #tpu.memory_space<vmem>> -> memref<128xi32, #tpu.memory_space<vmem>>
          %dma_wait3A_307 = tpu.memref_slice %arg2[%add3A_281] : memref<819200xi32, #tpu.memory_space<hbm>> -> memref<128xi32, #tpu.memory_space<hbm>>
          %dma_wait3A_308 = arith.constant 0 : i32
          %dma_wait3A_309 = tpu.memref_slice %arg5[%run_scoped3A_282, %dma_wait3A_308] : memref<4x128xi32, #tpu.memory_space<vmem>> -> memref<1x128xi32, #tpu.memory_space<vmem>>
          %dma_wait3A_310 = tpu.memref_squeeze %dma_wait3A_309 : memref<1x128xi32, #tpu.memory_space<vmem>> -> memref<128xi32, #tpu.memory_space<vmem>>
          %dma_wait3A_311 = tpu.memref_slice %arg2[%add3A_281] : memref<819200xi32, #tpu.memory_space<hbm>> -> memref<128xi32, #tpu.memory_space<hbm>>
          tpu.wait_dma2 semaphore(%run_scoped3A_295 : memref<!tpu.dma_semaphore, #tpu.memory_space<semaphore_mem>>) src(%dma_wait3A_311 : memref<128xi32, #tpu.memory_space<hbm>>) dst(%dma_wait3A_310 : memref<128xi32, #tpu.memory_space<vmem>>)
          tpu.yield
        }) : () -> ()
        %dma_start3A_283 = arith.constant 0 : i32
        %dma_start3A_284 = arith.constant 0 : i32
        %dma_start3A_285 = arith.constant 0 : i32
        %dma_start3A_286 = arith.constant 0 : i32
        %dma_start3A_287 = tpu.memref_slice %arg6[%dma_start3A_284, %dma_start3A_285, %dma_start3A_286] : memref<4x128x64xf32, #tpu.memory_space<vmem>> -> memref<1x128x64xf32, #tpu.memory_space<vmem>>
        %dma_start3A_288 = tpu.memref_squeeze %dma_start3A_287 : memref<1x128x64xf32, #tpu.memory_space<vmem>> -> memref<128x64xf32, #tpu.memory_space<vmem>>
        %dma_start3A_289 = arith.constant 0 : i32
        %dma_start3A_290 = tpu.memref_slice %arg5[%dma_start3A_283, %dma_start3A_289] : memref<4x128xi32, #tpu.memory_space<vmem>> -> memref<1x128xi32, #tpu.memory_space<vmem>>
        %dma_start3A_291 = tpu.memref_squeeze %dma_start3A_290 : memref<1x128xi32, #tpu.memory_space<vmem>> -> memref<128xi32, #tpu.memory_space<vmem>>
        %dma_start3A_292 = arith.constant 0 : i32
        %dma_start3A_293 = arith.constant 0 : i32
        %dma_start3A_294 = tpu.memref_slice %arg3[%dma_start3A_292, %dma_start3A_293] : memref<1000000x64xf32, #tpu.memory_space<hbm>> -> memref<1000000x64xf32, #tpu.memory_space<hbm>>
        tpu.enqueue_indirect_dma source(%dma_start3A_294 : memref<1000000x64xf32, #tpu.memory_space<hbm>>) target(%dma_start3A_288 : memref<128x64xf32, #tpu.memory_space<vmem>>) offsets(%dma_start3A_291 : memref<128xi32, #tpu.memory_space<vmem>>) semaphore(%arg7 : memref<!tpu.dma_semaphore, #tpu.memory_space<semaphore_mem>>)
      } else {
      }
      %mul3A_191 = arith.constant 4 : i32
      %mul3A_192 = arith.muli %scan3A_110, %mul3A_191 : i32
      %add3A_193 = arith.constant 2 : i32
      %add3A_194 = arith.addi %mul3A_192, %add3A_193 : i32
      %dma_wait3A_195 = arith.constant 2 : i32
      %dma_wait3A_196 = arith.constant 2 : i32
      %dma_wait3A_197 = arith.constant 0 : i32
      %dma_wait3A_198 = arith.constant 0 : i32
      %dma_wait3A_199 = tpu.memref_slice %arg6[%dma_wait3A_196, %dma_wait3A_197, %dma_wait3A_198] : memref<4x128x64xf32, #tpu.memory_space<vmem>> -> memref<1x128x64xf32, #tpu.memory_space<vmem>>
      %dma_wait3A_200 = tpu.memref_squeeze %dma_wait3A_199 : memref<1x128x64xf32, #tpu.memory_space<vmem>> -> memref<128x64xf32, #tpu.memory_space<vmem>>
      %dma_wait3A_201 = arith.constant 0 : i32
      %dma_wait3A_202 = tpu.memref_slice %arg5[%dma_wait3A_195, %dma_wait3A_201] : memref<4x128xi32, #tpu.memory_space<vmem>> -> memref<1x128xi32, #tpu.memory_space<vmem>>
      %dma_wait3A_203 = tpu.memref_squeeze %dma_wait3A_202 : memref<1x128xi32, #tpu.memory_space<vmem>> -> memref<128xi32, #tpu.memory_space<vmem>>
      %dma_wait3A_204 = arith.constant 0 : i32
      %dma_wait3A_205 = arith.constant 0 : i32
      %dma_wait3A_206 = tpu.memref_slice %arg3[%dma_wait3A_204, %dma_wait3A_205] : memref<1000000x64xf32, #tpu.memory_space<hbm>> -> memref<1000000x64xf32, #tpu.memory_space<hbm>>
      tpu.wait_indirect_dma semaphore(%arg9 : memref<!tpu.dma_semaphore, #tpu.memory_space<semaphore_mem>>) src(%dma_wait3A_206 : memref<1000000x64xf32, #tpu.memory_space<hbm>>) dst(%dma_wait3A_200 : memref<128x64xf32, #tpu.memory_space<vmem>>)
      %parallel_loop3A_207 = arith.constant 0 : i32
      %parallel_loop3A_208 = arith.constant 128 : i32
      %parallel_loop3A_209 = arith.constant 1 : i32
      scf.for %parallel_loop3A_275 = %parallel_loop3A_207 to %parallel_loop3A_208 step %parallel_loop3A_209  : i32 {
        %parallel_loop3A_276 = arith.constant 2 : i32
        %parallel_loop3A_277 = arith.index_cast %parallel_loop3A_276 : i32 to index
        %parallel_loop3A_278 = arith.index_cast %parallel_loop3A_275 : i32 to index
        %parallel_loop3A_279 = arith.constant 0 : index
        %parallel_loop3A_280 = tpu.vector_load %arg6[%parallel_loop3A_277, %parallel_loop3A_278, %parallel_loop3A_279] {strides = array<i32>} : memref<4x128x64xf32, #tpu.memory_space<vmem>>, vector<16xf32>,
        %parallel_loop3A_281 = arith.constant 8.000000e+00 : f32
        %parallel_loop3A_282 = vector.broadcast %parallel_loop3A_281 : f32 to vector<16xf32>
        %parallel_loop3A_283 = arith.mulf %parallel_loop3A_280, %parallel_loop3A_282 : vector<16xf32>
        %parallel_loop3A_284 = arith.constant 2 : i32
        %parallel_loop3A_285 = arith.index_cast %parallel_loop3A_284 : i32 to index
        %parallel_loop3A_286 = arith.index_cast %parallel_loop3A_275 : i32 to index
        %parallel_loop3A_287 = arith.constant 0 : index
        %parallel_loop3A_288 = tpu.vector_load %arg6[%parallel_loop3A_285, %parallel_loop3A_286, %parallel_loop3A_287] {strides = array<i32>} : memref<4x128x64xf32, #tpu.memory_space<vmem>>, vector<16xf32>,
        tpu.vector_store %arg6[%parallel_loop3A_285, %parallel_loop3A_286, %parallel_loop3A_287], %parallel_loop3A_283 {strides = array<i32>} : memref<4x128x64xf32, #tpu.memory_space<vmem>>, vector<16xf32>,
        %parallel_loop3A_289 = arith.constant 2 : i32
        %parallel_loop3A_290 = arith.index_cast %parallel_loop3A_289 : i32 to index
        %parallel_loop3A_291 = arith.index_cast %parallel_loop3A_275 : i32 to index
        %parallel_loop3A_292 = arith.constant 16 : index
        %parallel_loop3A_293 = tpu.vector_load %arg6[%parallel_loop3A_290, %parallel_loop3A_291, %parallel_loop3A_292] {strides = array<i32>} : memref<4x128x64xf32, #tpu.memory_space<vmem>>, vector<16xf32>,
        %parallel_loop3A_294 = arith.constant 8.000000e+00 : f32
        %parallel_loop3A_295 = vector.broadcast %parallel_loop3A_294 : f32 to vector<16xf32>
        %parallel_loop3A_296 = arith.mulf %parallel_loop3A_293, %parallel_loop3A_295 : vector<16xf32>
        %parallel_loop3A_297 = arith.constant 2 : i32
        %parallel_loop3A_298 = arith.index_cast %parallel_loop3A_297 : i32 to index
        %parallel_loop3A_299 = arith.index_cast %parallel_loop3A_275 : i32 to index
        %parallel_loop3A_300 = arith.constant 16 : index
        %parallel_loop3A_301 = tpu.vector_load %arg6[%parallel_loop3A_298, %parallel_loop3A_299, %parallel_loop3A_300] {strides = array<i32>} : memref<4x128x64xf32, #tpu.memory_space<vmem>>, vector<16xf32>,
        tpu.vector_store %arg6[%parallel_loop3A_298, %parallel_loop3A_299, %parallel_loop3A_300], %parallel_loop3A_296 {strides = array<i32>} : memref<4x128x64xf32, #tpu.memory_space<vmem>>, vector<16xf32>,
        %parallel_loop3A_302 = arith.constant 2 : i32
        %parallel_loop3A_303 = arith.index_cast %parallel_loop3A_302 : i32 to index
        %parallel_loop3A_304 = arith.index_cast %parallel_loop3A_275 : i32 to index
        %parallel_loop3A_305 = arith.constant 32 : index
        %parallel_loop3A_306 = tpu.vector_load %arg6[%parallel_loop3A_303, %parallel_loop3A_304, %parallel_loop3A_305] {strides = array<i32>} : memref<4x128x64xf32, #tpu.memory_space<vmem>>, vector<16xf32>,
        %parallel_loop3A_307 = arith.constant 8.000000e+00 : f32
        %parallel_loop3A_308 = vector.broadcast %parallel_loop3A_307 : f32 to vector<16xf32>
        %parallel_loop3A_309 = arith.mulf %parallel_loop3A_306, %parallel_loop3A_308 : vector<16xf32>
        %parallel_loop3A_310 = arith.constant 2 : i32
        %parallel_loop3A_311 = arith.index_cast %parallel_loop3A_310 : i32 to index
        %parallel_loop3A_312 = arith.index_cast %parallel_loop3A_275 : i32 to index
        %parallel_loop3A_313 = arith.constant 32 : index
        %parallel_loop3A_314 = tpu.vector_load %arg6[%parallel_loop3A_311, %parallel_loop3A_312, %parallel_loop3A_313] {strides = array<i32>} : memref<4x128x64xf32, #tpu.memory_space<vmem>>, vector<16xf32>,
        tpu.vector_store %arg6[%parallel_loop3A_311, %parallel_loop3A_312, %parallel_loop3A_313], %parallel_loop3A_309 {strides = array<i32>} : memref<4x128x64xf32, #tpu.memory_space<vmem>>, vector<16xf32>,
        %parallel_loop3A_315 = arith.constant 2 : i32
        %parallel_loop3A_316 = arith.index_cast %parallel_loop3A_315 : i32 to index
        %parallel_loop3A_317 = arith.index_cast %parallel_loop3A_275 : i32 to index
        %parallel_loop3A_318 = arith.constant 48 : index
        %parallel_loop3A_319 = tpu.vector_load %arg6[%parallel_loop3A_316, %parallel_loop3A_317, %parallel_loop3A_318] {strides = array<i32>} : memref<4x128x64xf32, #tpu.memory_space<vmem>>, vector<16xf32>,
        %parallel_loop3A_320 = arith.constant 8.000000e+00 : f32
        %parallel_loop3A_321 = vector.broadcast %parallel_loop3A_320 : f32 to vector<16xf32>
        %parallel_loop3A_322 = arith.mulf %parallel_loop3A_319, %parallel_loop3A_321 : vector<16xf32>
        %parallel_loop3A_323 = arith.constant 2 : i32
        %parallel_loop3A_324 = arith.index_cast %parallel_loop3A_323 : i32 to index
        %parallel_loop3A_325 = arith.index_cast %parallel_loop3A_275 : i32 to index
        %parallel_loop3A_326 = arith.constant 48 : index
        %parallel_loop3A_327 = tpu.vector_load %arg6[%parallel_loop3A_324, %parallel_loop3A_325, %parallel_loop3A_326] {strides = array<i32>} : memref<4x128x64xf32, #tpu.memory_space<vmem>>, vector<16xf32>,
        tpu.vector_store %arg6[%parallel_loop3A_324, %parallel_loop3A_325, %parallel_loop3A_326], %parallel_loop3A_322 {strides = array<i32>} : memref<4x128x64xf32, #tpu.memory_space<vmem>>, vector<16xf32>,
      } {sc.loop_unroll_factor = 4 : i64, sc.parallel_access}
      %mul3A_210 = arith.constant 128 : i32
      %mul3A_211 = arith.muli %add3A_194, %mul3A_210 : i32
      %add3A_212 = arith.addi %mul3A_2, %mul3A_211 : i32
      %dma_start3A_213 = arith.constant 2 : i32
      %dma_start3A_214 = arith.constant 0 : i32
      %dma_start3A_215 = arith.constant 0 : i32
      %dma_start3A_216 = tpu.memref_slice %arg6[%dma_start3A_213, %dma_start3A_214, %dma_start3A_215] : memref<4x128x64xf32, #tpu.memory_space<vmem>> -> memref<1x128x64xf32, #tpu.memory_space<vmem>>
      %dma_start3A_217 = tpu.memref_squeeze %dma_start3A_216 : memref<1x128x64xf32, #tpu.memory_space<vmem>> -> memref<128x64xf32, #tpu.memory_space<vmem>>
      %dma_start3A_218 = arith.constant 0 : i32
      %dma_start3A_219 = tpu.memref_slice %arg4[%add3A_212, %dma_start3A_218] : memref<819200x64xf32, #tpu.memory_space<hbm>> -> memref<128x64xf32, #tpu.memory_space<hbm>>
      %dma_start3A_220 = arith.constant 0 : i32
      %dma_start3A_221 = tpu.memref_slice %arg4[%add3A_212, %dma_start3A_220] : memref<819200x64xf32, #tpu.memory_space<hbm>> -> memref<128x64xf32, #tpu.memory_space<hbm>>
      %dma_start3A_222 = arith.constant 0 : i32
      %dma_start3A_223 = arith.constant 0 : i32
      %dma_start3A_224 = tpu.memref_slice %arg6[%dma_start3A_213, %dma_start3A_222, %dma_start3A_223] : memref<4x128x64xf32, #tpu.memory_space<vmem>> -> memref<1x128x64xf32, #tpu.memory_space<vmem>>
      %dma_start3A_225 = tpu.memref_squeeze %dma_start3A_224 : memref<1x128x64xf32, #tpu.memory_space<vmem>> -> memref<128x64xf32, #tpu.memory_space<vmem>>
      tpu.enqueue_dma source(%dma_start3A_225 : memref<128x64xf32, #tpu.memory_space<vmem>>) target(%dma_start3A_221 : memref<128x64xf32, #tpu.memory_space<hbm>>) target_semaphore(%arg13 : memref<!tpu.dma_semaphore, #tpu.memory_space<semaphore_mem>>)
      %add3A_226 = arith.constant 3 : i32
      %add3A_227 = arith.addi %add3A_194, %add3A_226 : i32
      %lt3A_228 = arith.constant 200 : i32
      %lt3A_229 = arith.cmpi slt, %add3A_227, %lt3A_228 : i32
      %convert_element_type3A_230 = arith.extui %lt3A_229 : i1 to i32
      %cond3A_231 = arith.constant 0 : i32
      %cond3A_232 = arith.cmpi ne, %convert_element_type3A_230, %cond3A_231 : i32
      scf.if %cond3A_232 {
        %ge3A = arith.constant 4 : i32
        %ge3A_275 = arith.cmpi sge, %add3A_227, %ge3A : i32
        %convert_element_type3A_276 = arith.extui %ge3A_275 : i1 to i32
        %cond3A_277 = arith.constant 0 : i32
        %cond3A_278 = arith.cmpi ne, %convert_element_type3A_276, %cond3A_277 : i32
        scf.if %cond3A_278 {
          %dma_wait3A_295 = arith.constant 1 : i32
          %dma_wait3A_296 = arith.constant 0 : i32
          %dma_wait3A_297 = arith.constant 0 : i32
          %dma_wait3A_298 = tpu.memref_slice %arg6[%dma_wait3A_295, %dma_wait3A_296, %dma_wait3A_297] : memref<4x128x64xf32, #tpu.memory_space<vmem>> -> memref<1x128x64xf32, #tpu.memory_space<vmem>>
          %dma_wait3A_299 = tpu.memref_squeeze %dma_wait3A_298 : memref<1x128x64xf32, #tpu.memory_space<vmem>> -> memref<128x64xf32, #tpu.memory_space<vmem>>
          %dma_wait3A_300 = arith.constant 0 : i32
          %dma_wait3A_301 = arith.constant 0 : i32
          %dma_wait3A_302 = tpu.memref_slice %arg4[%dma_wait3A_300, %dma_wait3A_301] : memref<819200x64xf32, #tpu.memory_space<hbm>> -> memref<128x64xf32, #tpu.memory_space<hbm>>
          %dma_wait3A_303 = arith.constant 0 : i32
          %dma_wait3A_304 = arith.constant 0 : i32
          %dma_wait3A_305 = tpu.memref_slice %arg4[%dma_wait3A_303, %dma_wait3A_304] : memref<819200x64xf32, #tpu.memory_space<hbm>> -> memref<128x64xf32, #tpu.memory_space<hbm>>
          %dma_wait3A_306 = arith.constant 0 : i32
          %dma_wait3A_307 = arith.constant 0 : i32
          %dma_wait3A_308 = tpu.memref_slice %arg6[%dma_wait3A_295, %dma_wait3A_306, %dma_wait3A_307] : memref<4x128x64xf32, #tpu.memory_space<vmem>> -> memref<1x128x64xf32, #tpu.memory_space<vmem>>
          %dma_wait3A_309 = tpu.memref_squeeze %dma_wait3A_308 : memref<1x128x64xf32, #tpu.memory_space<vmem>> -> memref<128x64xf32, #tpu.memory_space<vmem>>
          tpu.wait_dma2 semaphore(%arg12 : memref<!tpu.dma_semaphore, #tpu.memory_space<semaphore_mem>>) src(%dma_wait3A_309 : memref<128x64xf32, #tpu.memory_space<vmem>>) dst(%dma_wait3A_305 : memref<128x64xf32, #tpu.memory_space<hbm>>)
        } else {
        }
        %mul3A_279 = arith.constant 128 : i32
        %mul3A_280 = arith.muli %add3A_227, %mul3A_279 : i32
        %add3A_281 = arith.addi %mul3A_2, %mul3A_280 : i32
        %run_scoped3A_282 = arith.constant 1 : i32
        "tpu.region"() ({
          %run_scoped3A_295 = tpu.sem_alloc : memref<!tpu.dma_semaphore, #tpu.memory_space<semaphore_mem>>
          %dma_start3A_296 = arith.constant 0 : i32
          %dma_start3A_297 = tpu.memref_slice %arg5[%run_scoped3A_282, %dma_start3A_296] : memref<4x128xi32, #tpu.memory_space<vmem>> -> memref<1x128xi32, #tpu.memory_space<vmem>>
          %dma_start3A_298 = tpu.memref_squeeze %dma_start3A_297 : memref<1x128xi32, #tpu.memory_space<vmem>> -> memref<128xi32, #tpu.memory_space<vmem>>
          %dma_start3A_299 = tpu.memref_slice %arg2[%add3A_281] : memref<819200xi32, #tpu.memory_space<hbm>> -> memref<128xi32, #tpu.memory_space<hbm>>
          %dma_start3A_300 = arith.constant 0 : i32
          %dma_start3A_301 = tpu.memref_slice %arg5[%run_scoped3A_282, %dma_start3A_300] : memref<4x128xi32, #tpu.memory_space<vmem>> -> memref<1x128xi32, #tpu.memory_space<vmem>>
          %dma_start3A_302 = tpu.memref_squeeze %dma_start3A_301 : memref<1x128xi32, #tpu.memory_space<vmem>> -> memref<128xi32, #tpu.memory_space<vmem>>
          %dma_start3A_303 = tpu.memref_slice %arg2[%add3A_281] : memref<819200xi32, #tpu.memory_space<hbm>> -> memref<128xi32, #tpu.memory_space<hbm>>
          tpu.enqueue_dma source(%dma_start3A_303 : memref<128xi32, #tpu.memory_space<hbm>>) target(%dma_start3A_302 : memref<128xi32, #tpu.memory_space<vmem>>) target_semaphore(%run_scoped3A_295 : memref<!tpu.dma_semaphore, #tpu.memory_space<semaphore_mem>>)
          %dma_wait3A_304 = arith.constant 0 : i32
          %dma_wait3A_305 = tpu.memref_slice %arg5[%run_scoped3A_282, %dma_wait3A_304] : memref<4x128xi32, #tpu.memory_space<vmem>> -> memref<1x128xi32, #tpu.memory_space<vmem>>
          %dma_wait3A_306 = tpu.memref_squeeze %dma_wait3A_305 : memref<1x128xi32, #tpu.memory_space<vmem>> -> memref<128xi32, #tpu.memory_space<vmem>>
          %dma_wait3A_307 = tpu.memref_slice %arg2[%add3A_281] : memref<819200xi32, #tpu.memory_space<hbm>> -> memref<128xi32, #tpu.memory_space<hbm>>
          %dma_wait3A_308 = arith.constant 0 : i32
          %dma_wait3A_309 = tpu.memref_slice %arg5[%run_scoped3A_282, %dma_wait3A_308] : memref<4x128xi32, #tpu.memory_space<vmem>> -> memref<1x128xi32, #tpu.memory_space<vmem>>
          %dma_wait3A_310 = tpu.memref_squeeze %dma_wait3A_309 : memref<1x128xi32, #tpu.memory_space<vmem>> -> memref<128xi32, #tpu.memory_space<vmem>>
          %dma_wait3A_311 = tpu.memref_slice %arg2[%add3A_281] : memref<819200xi32, #tpu.memory_space<hbm>> -> memref<128xi32, #tpu.memory_space<hbm>>
          tpu.wait_dma2 semaphore(%run_scoped3A_295 : memref<!tpu.dma_semaphore, #tpu.memory_space<semaphore_mem>>) src(%dma_wait3A_311 : memref<128xi32, #tpu.memory_space<hbm>>) dst(%dma_wait3A_310 : memref<128xi32, #tpu.memory_space<vmem>>)
          tpu.yield
        }) : () -> ()
        %dma_start3A_283 = arith.constant 1 : i32
        %dma_start3A_284 = arith.constant 1 : i32
        %dma_start3A_285 = arith.constant 0 : i32
        %dma_start3A_286 = arith.constant 0 : i32
        %dma_start3A_287 = tpu.memref_slice %arg6[%dma_start3A_284, %dma_start3A_285, %dma_start3A_286] : memref<4x128x64xf32, #tpu.memory_space<vmem>> -> memref<1x128x64xf32, #tpu.memory_space<vmem>>
        %dma_start3A_288 = tpu.memref_squeeze %dma_start3A_287 : memref<1x128x64xf32, #tpu.memory_space<vmem>> -> memref<128x64xf32, #tpu.memory_space<vmem>>
        %dma_start3A_289 = arith.constant 0 : i32
        %dma_start3A_290 = tpu.memref_slice %arg5[%dma_start3A_283, %dma_start3A_289] : memref<4x128xi32, #tpu.memory_space<vmem>> -> memref<1x128xi32, #tpu.memory_space<vmem>>
        %dma_start3A_291 = tpu.memref_squeeze %dma_start3A_290 : memref<1x128xi32, #tpu.memory_space<vmem>> -> memref<128xi32, #tpu.memory_space<vmem>>
        %dma_start3A_292 = arith.constant 0 : i32
        %dma_start3A_293 = arith.constant 0 : i32
        %dma_start3A_294 = tpu.memref_slice %arg3[%dma_start3A_292, %dma_start3A_293] : memref<1000000x64xf32, #tpu.memory_space<hbm>> -> memref<1000000x64xf32, #tpu.memory_space<hbm>>
        tpu.enqueue_indirect_dma source(%dma_start3A_294 : memref<1000000x64xf32, #tpu.memory_space<hbm>>) target(%dma_start3A_288 : memref<128x64xf32, #tpu.memory_space<vmem>>) offsets(%dma_start3A_291 : memref<128xi32, #tpu.memory_space<vmem>>) semaphore(%arg8 : memref<!tpu.dma_semaphore, #tpu.memory_space<semaphore_mem>>)
      } else {
      }
      %mul3A_233 = arith.constant 4 : i32
      %mul3A_234 = arith.muli %scan3A_110, %mul3A_233 : i32
      %add3A_235 = arith.constant 3 : i32
      %add3A_236 = arith.addi %mul3A_234, %add3A_235 : i32
      %dma_wait3A_237 = arith.constant 3 : i32
      %dma_wait3A_238 = arith.constant 3 : i32
      %dma_wait3A_239 = arith.constant 0 : i32
      %dma_wait3A_240 = arith.constant 0 : i32
      %dma_wait3A_241 = tpu.memref_slice %arg6[%dma_wait3A_238, %dma_wait3A_239, %dma_wait3A_240] : memref<4x128x64xf32, #tpu.memory_space<vmem>> -> memref<1x128x64xf32, #tpu.memory_space<vmem>>
      %dma_wait3A_242 = tpu.memref_squeeze %dma_wait3A_241 : memref<1x128x64xf32, #tpu.memory_space<vmem>> -> memref<128x64xf32, #tpu.memory_space<vmem>>
      %dma_wait3A_243 = arith.constant 0 : i32
      %dma_wait3A_244 = tpu.memref_slice %arg5[%dma_wait3A_237, %dma_wait3A_243] : memref<4x128xi32, #tpu.memory_space<vmem>> -> memref<1x128xi32, #tpu.memory_space<vmem>>
      %dma_wait3A_245 = tpu.memref_squeeze %dma_wait3A_244 : memref<1x128xi32, #tpu.memory_space<vmem>> -> memref<128xi32, #tpu.memory_space<vmem>>
      %dma_wait3A_246 = arith.constant 0 : i32
      %dma_wait3A_247 = arith.constant 0 : i32
      %dma_wait3A_248 = tpu.memref_slice %arg3[%dma_wait3A_246, %dma_wait3A_247] : memref<1000000x64xf32, #tpu.memory_space<hbm>> -> memref<1000000x64xf32, #tpu.memory_space<hbm>>
      tpu.wait_indirect_dma semaphore(%arg10 : memref<!tpu.dma_semaphore, #tpu.memory_space<semaphore_mem>>) src(%dma_wait3A_248 : memref<1000000x64xf32, #tpu.memory_space<hbm>>) dst(%dma_wait3A_242 : memref<128x64xf32, #tpu.memory_space<vmem>>)
      %parallel_loop3A_249 = arith.constant 0 : i32
      %parallel_loop3A_250 = arith.constant 128 : i32
      %parallel_loop3A_251 = arith.constant 1 : i32
      scf.for %parallel_loop3A_275 = %parallel_loop3A_249 to %parallel_loop3A_250 step %parallel_loop3A_251  : i32 {
        %parallel_loop3A_276 = arith.constant 3 : i32
        %parallel_loop3A_277 = arith.index_cast %parallel_loop3A_276 : i32 to index
        %parallel_loop3A_278 = arith.index_cast %parallel_loop3A_275 : i32 to index
        %parallel_loop3A_279 = arith.constant 0 : index
        %parallel_loop3A_280 = tpu.vector_load %arg6[%parallel_loop3A_277, %parallel_loop3A_278, %parallel_loop3A_279] {strides = array<i32>} : memref<4x128x64xf32, #tpu.memory_space<vmem>>, vector<16xf32>,
        %parallel_loop3A_281 = arith.constant 8.000000e+00 : f32
        %parallel_loop3A_282 = vector.broadcast %parallel_loop3A_281 : f32 to vector<16xf32>
        %parallel_loop3A_283 = arith.mulf %parallel_loop3A_280, %parallel_loop3A_282 : vector<16xf32>
        %parallel_loop3A_284 = arith.constant 3 : i32
        %parallel_loop3A_285 = arith.index_cast %parallel_loop3A_284 : i32 to index
        %parallel_loop3A_286 = arith.index_cast %parallel_loop3A_275 : i32 to index
        %parallel_loop3A_287 = arith.constant 0 : index
        %parallel_loop3A_288 = tpu.vector_load %arg6[%parallel_loop3A_285, %parallel_loop3A_286, %parallel_loop3A_287] {strides = array<i32>} : memref<4x128x64xf32, #tpu.memory_space<vmem>>, vector<16xf32>,
        tpu.vector_store %arg6[%parallel_loop3A_285, %parallel_loop3A_286, %parallel_loop3A_287], %parallel_loop3A_283 {strides = array<i32>} : memref<4x128x64xf32, #tpu.memory_space<vmem>>, vector<16xf32>,
        %parallel_loop3A_289 = arith.constant 3 : i32
        %parallel_loop3A_290 = arith.index_cast %parallel_loop3A_289 : i32 to index
        %parallel_loop3A_291 = arith.index_cast %parallel_loop3A_275 : i32 to index
        %parallel_loop3A_292 = arith.constant 16 : index
        %parallel_loop3A_293 = tpu.vector_load %arg6[%parallel_loop3A_290, %parallel_loop3A_291, %parallel_loop3A_292] {strides = array<i32>} : memref<4x128x64xf32, #tpu.memory_space<vmem>>, vector<16xf32>,
        %parallel_loop3A_294 = arith.constant 8.000000e+00 : f32
        %parallel_loop3A_295 = vector.broadcast %parallel_loop3A_294 : f32 to vector<16xf32>
        %parallel_loop3A_296 = arith.mulf %parallel_loop3A_293, %parallel_loop3A_295 : vector<16xf32>
        %parallel_loop3A_297 = arith.constant 3 : i32
        %parallel_loop3A_298 = arith.index_cast %parallel_loop3A_297 : i32 to index
        %parallel_loop3A_299 = arith.index_cast %parallel_loop3A_275 : i32 to index
        %parallel_loop3A_300 = arith.constant 16 : index
        %parallel_loop3A_301 = tpu.vector_load %arg6[%parallel_loop3A_298, %parallel_loop3A_299, %parallel_loop3A_300] {strides = array<i32>} : memref<4x128x64xf32, #tpu.memory_space<vmem>>, vector<16xf32>,
        tpu.vector_store %arg6[%parallel_loop3A_298, %parallel_loop3A_299, %parallel_loop3A_300], %parallel_loop3A_296 {strides = array<i32>} : memref<4x128x64xf32, #tpu.memory_space<vmem>>, vector<16xf32>,
        %parallel_loop3A_302 = arith.constant 3 : i32
        %parallel_loop3A_303 = arith.index_cast %parallel_loop3A_302 : i32 to index
        %parallel_loop3A_304 = arith.index_cast %parallel_loop3A_275 : i32 to index
        %parallel_loop3A_305 = arith.constant 32 : index
        %parallel_loop3A_306 = tpu.vector_load %arg6[%parallel_loop3A_303, %parallel_loop3A_304, %parallel_loop3A_305] {strides = array<i32>} : memref<4x128x64xf32, #tpu.memory_space<vmem>>, vector<16xf32>,
        %parallel_loop3A_307 = arith.constant 8.000000e+00 : f32
        %parallel_loop3A_308 = vector.broadcast %parallel_loop3A_307 : f32 to vector<16xf32>
        %parallel_loop3A_309 = arith.mulf %parallel_loop3A_306, %parallel_loop3A_308 : vector<16xf32>
        %parallel_loop3A_310 = arith.constant 3 : i32
        %parallel_loop3A_311 = arith.index_cast %parallel_loop3A_310 : i32 to index
        %parallel_loop3A_312 = arith.index_cast %parallel_loop3A_275 : i32 to index
        %parallel_loop3A_313 = arith.constant 32 : index
        %parallel_loop3A_314 = tpu.vector_load %arg6[%parallel_loop3A_311, %parallel_loop3A_312, %parallel_loop3A_313] {strides = array<i32>} : memref<4x128x64xf32, #tpu.memory_space<vmem>>, vector<16xf32>,
        tpu.vector_store %arg6[%parallel_loop3A_311, %parallel_loop3A_312, %parallel_loop3A_313], %parallel_loop3A_309 {strides = array<i32>} : memref<4x128x64xf32, #tpu.memory_space<vmem>>, vector<16xf32>,
        %parallel_loop3A_315 = arith.constant 3 : i32
        %parallel_loop3A_316 = arith.index_cast %parallel_loop3A_315 : i32 to index
        %parallel_loop3A_317 = arith.index_cast %parallel_loop3A_275 : i32 to index
        %parallel_loop3A_318 = arith.constant 48 : index
        %parallel_loop3A_319 = tpu.vector_load %arg6[%parallel_loop3A_316, %parallel_loop3A_317, %parallel_loop3A_318] {strides = array<i32>} : memref<4x128x64xf32, #tpu.memory_space<vmem>>, vector<16xf32>,
        %parallel_loop3A_320 = arith.constant 8.000000e+00 : f32
        %parallel_loop3A_321 = vector.broadcast %parallel_loop3A_320 : f32 to vector<16xf32>
        %parallel_loop3A_322 = arith.mulf %parallel_loop3A_319, %parallel_loop3A_321 : vector<16xf32>
        %parallel_loop3A_323 = arith.constant 3 : i32
        %parallel_loop3A_324 = arith.index_cast %parallel_loop3A_323 : i32 to index
        %parallel_loop3A_325 = arith.index_cast %parallel_loop3A_275 : i32 to index
        %parallel_loop3A_326 = arith.constant 48 : index
        %parallel_loop3A_327 = tpu.vector_load %arg6[%parallel_loop3A_324, %parallel_loop3A_325, %parallel_loop3A_326] {strides = array<i32>} : memref<4x128x64xf32, #tpu.memory_space<vmem>>, vector<16xf32>,
        tpu.vector_store %arg6[%parallel_loop3A_324, %parallel_loop3A_325, %parallel_loop3A_326], %parallel_loop3A_322 {strides = array<i32>} : memref<4x128x64xf32, #tpu.memory_space<vmem>>, vector<16xf32>,
      } {sc.loop_unroll_factor = 4 : i64, sc.parallel_access}
      %mul3A_252 = arith.constant 128 : i32
      %mul3A_253 = arith.muli %add3A_236, %mul3A_252 : i32
      %add3A_254 = arith.addi %mul3A_2, %mul3A_253 : i32
      %dma_start3A_255 = arith.constant 3 : i32
      %dma_start3A_256 = arith.constant 0 : i32
      %dma_start3A_257 = arith.constant 0 : i32
      %dma_start3A_258 = tpu.memref_slice %arg6[%dma_start3A_255, %dma_start3A_256, %dma_start3A_257] : memref<4x128x64xf32, #tpu.memory_space<vmem>> -> memref<1x128x64xf32, #tpu.memory_space<vmem>>
      %dma_start3A_259 = tpu.memref_squeeze %dma_start3A_258 : memref<1x128x64xf32, #tpu.memory_space<vmem>> -> memref<128x64xf32, #tpu.memory_space<vmem>>
      %dma_start3A_260 = arith.constant 0 : i32
      %dma_start3A_261 = tpu.memref_slice %arg4[%add3A_254, %dma_start3A_260] : memref<819200x64xf32, #tpu.memory_space<hbm>> -> memref<128x64xf32, #tpu.memory_space<hbm>>
      %dma_start3A_262 = arith.constant 0 : i32
      %dma_start3A_263 = tpu.memref_slice %arg4[%add3A_254, %dma_start3A_262] : memref<819200x64xf32, #tpu.memory_space<hbm>> -> memref<128x64xf32, #tpu.memory_space<hbm>>
      %dma_start3A_264 = arith.constant 0 : i32
      %dma_start3A_265 = arith.constant 0 : i32
      %dma_start3A_266 = tpu.memref_slice %arg6[%dma_start3A_255, %dma_start3A_264, %dma_start3A_265] : memref<4x128x64xf32, #tpu.memory_space<vmem>> -> memref<1x128x64xf32, #tpu.memory_space<vmem>>
      %dma_start3A_267 = tpu.memref_squeeze %dma_start3A_266 : memref<1x128x64xf32, #tpu.memory_space<vmem>> -> memref<128x64xf32, #tpu.memory_space<vmem>>
      tpu.enqueue_dma source(%dma_start3A_267 : memref<128x64xf32, #tpu.memory_space<vmem>>) target(%dma_start3A_263 : memref<128x64xf32, #tpu.memory_space<hbm>>) target_semaphore(%arg14 : memref<!tpu.dma_semaphore, #tpu.memory_space<semaphore_mem>>)
      %add3A_268 = arith.constant 3 : i32
      %add3A_269 = arith.addi %add3A_236, %add3A_268 : i32
      %lt3A_270 = arith.constant 200 : i32
      %lt3A_271 = arith.cmpi slt, %add3A_269, %lt3A_270 : i32
      %convert_element_type3A_272 = arith.extui %lt3A_271 : i1 to i32
      %cond3A_273 = arith.constant 0 : i32
      %cond3A_274 = arith.cmpi ne, %convert_element_type3A_272, %cond3A_273 : i32
      scf.if %cond3A_274 {
        %ge3A = arith.constant 4 : i32
        %ge3A_275 = arith.cmpi sge, %add3A_269, %ge3A : i32
        %convert_element_type3A_276 = arith.extui %ge3A_275 : i1 to i32
        %cond3A_277 = arith.constant 0 : i32
        %cond3A_278 = arith.cmpi ne, %convert_element_type3A_276, %cond3A_277 : i32
        scf.if %cond3A_278 {
          %dma_wait3A_295 = arith.constant 2 : i32
          %dma_wait3A_296 = arith.constant 0 : i32
          %dma_wait3A_297 = arith.constant 0 : i32
          %dma_wait3A_298 = tpu.memref_slice %arg6[%dma_wait3A_295, %dma_wait3A_296, %dma_wait3A_297] : memref<4x128x64xf32, #tpu.memory_space<vmem>> -> memref<1x128x64xf32, #tpu.memory_space<vmem>>
          %dma_wait3A_299 = tpu.memref_squeeze %dma_wait3A_298 : memref<1x128x64xf32, #tpu.memory_space<vmem>> -> memref<128x64xf32, #tpu.memory_space<vmem>>
          %dma_wait3A_300 = arith.constant 0 : i32
          %dma_wait3A_301 = arith.constant 0 : i32
          %dma_wait3A_302 = tpu.memref_slice %arg4[%dma_wait3A_300, %dma_wait3A_301] : memref<819200x64xf32, #tpu.memory_space<hbm>> -> memref<128x64xf32, #tpu.memory_space<hbm>>
          %dma_wait3A_303 = arith.constant 0 : i32
          %dma_wait3A_304 = arith.constant 0 : i32
          %dma_wait3A_305 = tpu.memref_slice %arg4[%dma_wait3A_303, %dma_wait3A_304] : memref<819200x64xf32, #tpu.memory_space<hbm>> -> memref<128x64xf32, #tpu.memory_space<hbm>>
          %dma_wait3A_306 = arith.constant 0 : i32
          %dma_wait3A_307 = arith.constant 0 : i32
          %dma_wait3A_308 = tpu.memref_slice %arg6[%dma_wait3A_295, %dma_wait3A_306, %dma_wait3A_307] : memref<4x128x64xf32, #tpu.memory_space<vmem>> -> memref<1x128x64xf32, #tpu.memory_space<vmem>>
          %dma_wait3A_309 = tpu.memref_squeeze %dma_wait3A_308 : memref<1x128x64xf32, #tpu.memory_space<vmem>> -> memref<128x64xf32, #tpu.memory_space<vmem>>
          tpu.wait_dma2 semaphore(%arg13 : memref<!tpu.dma_semaphore, #tpu.memory_space<semaphore_mem>>) src(%dma_wait3A_309 : memref<128x64xf32, #tpu.memory_space<vmem>>) dst(%dma_wait3A_305 : memref<128x64xf32, #tpu.memory_space<hbm>>)
        } else {
        }
        %mul3A_279 = arith.constant 128 : i32
        %mul3A_280 = arith.muli %add3A_269, %mul3A_279 : i32
        %add3A_281 = arith.addi %mul3A_2, %mul3A_280 : i32
        %run_scoped3A_282 = arith.constant 2 : i32
        "tpu.region"() ({
          %run_scoped3A_295 = tpu.sem_alloc : memref<!tpu.dma_semaphore, #tpu.memory_space<semaphore_mem>>
          %dma_start3A_296 = arith.constant 0 : i32
          %dma_start3A_297 = tpu.memref_slice %arg5[%run_scoped3A_282, %dma_start3A_296] : memref<4x128xi32, #tpu.memory_space<vmem>> -> memref<1x128xi32, #tpu.memory_space<vmem>>
          %dma_start3A_298 = tpu.memref_squeeze %dma_start3A_297 : memref<1x128xi32, #tpu.memory_space<vmem>> -> memref<128xi32, #tpu.memory_space<vmem>>
          %dma_start3A_299 = tpu.memref_slice %arg2[%add3A_281] : memref<819200xi32, #tpu.memory_space<hbm>> -> memref<128xi32, #tpu.memory_space<hbm>>
          %dma_start3A_300 = arith.constant 0 : i32
          %dma_start3A_301 = tpu.memref_slice %arg5[%run_scoped3A_282, %dma_start3A_300] : memref<4x128xi32, #tpu.memory_space<vmem>> -> memref<1x128xi32, #tpu.memory_space<vmem>>
          %dma_start3A_302 = tpu.memref_squeeze %dma_start3A_301 : memref<1x128xi32, #tpu.memory_space<vmem>> -> memref<128xi32, #tpu.memory_space<vmem>>
          %dma_start3A_303 = tpu.memref_slice %arg2[%add3A_281] : memref<819200xi32, #tpu.memory_space<hbm>> -> memref<128xi32, #tpu.memory_space<hbm>>
          tpu.enqueue_dma source(%dma_start3A_303 : memref<128xi32, #tpu.memory_space<hbm>>) target(%dma_start3A_302 : memref<128xi32, #tpu.memory_space<vmem>>) target_semaphore(%run_scoped3A_295 : memref<!tpu.dma_semaphore, #tpu.memory_space<semaphore_mem>>)
          %dma_wait3A_304 = arith.constant 0 : i32
          %dma_wait3A_305 = tpu.memref_slice %arg5[%run_scoped3A_282, %dma_wait3A_304] : memref<4x128xi32, #tpu.memory_space<vmem>> -> memref<1x128xi32, #tpu.memory_space<vmem>>
          %dma_wait3A_306 = tpu.memref_squeeze %dma_wait3A_305 : memref<1x128xi32, #tpu.memory_space<vmem>> -> memref<128xi32, #tpu.memory_space<vmem>>
          %dma_wait3A_307 = tpu.memref_slice %arg2[%add3A_281] : memref<819200xi32, #tpu.memory_space<hbm>> -> memref<128xi32, #tpu.memory_space<hbm>>
          %dma_wait3A_308 = arith.constant 0 : i32
          %dma_wait3A_309 = tpu.memref_slice %arg5[%run_scoped3A_282, %dma_wait3A_308] : memref<4x128xi32, #tpu.memory_space<vmem>> -> memref<1x128xi32, #tpu.memory_space<vmem>>
          %dma_wait3A_310 = tpu.memref_squeeze %dma_wait3A_309 : memref<1x128xi32, #tpu.memory_space<vmem>> -> memref<128xi32, #tpu.memory_space<vmem>>
          %dma_wait3A_311 = tpu.memref_slice %arg2[%add3A_281] : memref<819200xi32, #tpu.memory_space<hbm>> -> memref<128xi32, #tpu.memory_space<hbm>>
          tpu.wait_dma2 semaphore(%run_scoped3A_295 : memref<!tpu.dma_semaphore, #tpu.memory_space<semaphore_mem>>) src(%dma_wait3A_311 : memref<128xi32, #tpu.memory_space<hbm>>) dst(%dma_wait3A_310 : memref<128xi32, #tpu.memory_space<vmem>>)
          tpu.yield
        }) : () -> ()
        %dma_start3A_283 = arith.constant 2 : i32
        %dma_start3A_284 = arith.constant 2 : i32
        %dma_start3A_285 = arith.constant 0 : i32
        %dma_start3A_286 = arith.constant 0 : i32
        %dma_start3A_287 = tpu.memref_slice %arg6[%dma_start3A_284, %dma_start3A_285, %dma_start3A_286] : memref<4x128x64xf32, #tpu.memory_space<vmem>> -> memref<1x128x64xf32, #tpu.memory_space<vmem>>
        %dma_start3A_288 = tpu.memref_squeeze %dma_start3A_287 : memref<1x128x64xf32, #tpu.memory_space<vmem>> -> memref<128x64xf32, #tpu.memory_space<vmem>>
        %dma_start3A_289 = arith.constant 0 : i32
        %dma_start3A_290 = tpu.memref_slice %arg5[%dma_start3A_283, %dma_start3A_289] : memref<4x128xi32, #tpu.memory_space<vmem>> -> memref<1x128xi32, #tpu.memory_space<vmem>>
        %dma_start3A_291 = tpu.memref_squeeze %dma_start3A_290 : memref<1x128xi32, #tpu.memory_space<vmem>> -> memref<128xi32, #tpu.memory_space<vmem>>
        %dma_start3A_292 = arith.constant 0 : i32
        %dma_start3A_293 = arith.constant 0 : i32
        %dma_start3A_294 = tpu.memref_slice %arg3[%dma_start3A_292, %dma_start3A_293] : memref<1000000x64xf32, #tpu.memory_space<hbm>> -> memref<1000000x64xf32, #tpu.memory_space<hbm>>
        tpu.enqueue_indirect_dma source(%dma_start3A_294 : memref<1000000x64xf32, #tpu.memory_space<hbm>>) target(%dma_start3A_288 : memref<128x64xf32, #tpu.memory_space<vmem>>) offsets(%dma_start3A_291 : memref<128xi32, #tpu.memory_space<vmem>>) semaphore(%arg9 : memref<!tpu.dma_semaphore, #tpu.memory_space<semaphore_mem>>)
      } else {
      }
    }
    %scan3A_50 = arith.constant 50 : i32
    %dma_wait3A = arith.constant 0 : i32
    %dma_wait3A_51 = arith.constant 0 : i32
    %dma_wait3A_52 = arith.constant 0 : i32
    %dma_wait3A_53 = tpu.memref_slice %arg6[%dma_wait3A, %dma_wait3A_51, %dma_wait3A_52] : memref<4x128x64xf32, #tpu.memory_space<vmem>> -> memref<1x128x64xf32, #tpu.memory_space<vmem>>
    %dma_wait3A_54 = tpu.memref_squeeze %dma_wait3A_53 : memref<1x128x64xf32, #tpu.memory_space<vmem>> -> memref<128x64xf32, #tpu.memory_space<vmem>>
    %dma_wait3A_55 = arith.constant 0 : i32
    %dma_wait3A_56 = arith.constant 0 : i32
    %dma_wait3A_57 = tpu.memref_slice %arg4[%dma_wait3A_55, %dma_wait3A_56] : memref<819200x64xf32, #tpu.memory_space<hbm>> -> memref<128x64xf32, #tpu.memory_space<hbm>>
    %dma_wait3A_58 = arith.constant 0 : i32
    %dma_wait3A_59 = arith.constant 0 : i32
    %dma_wait3A_60 = tpu.memref_slice %arg4[%dma_wait3A_58, %dma_wait3A_59] : memref<819200x64xf32, #tpu.memory_space<hbm>> -> memref<128x64xf32, #tpu.memory_space<hbm>>
    %dma_wait3A_61 = arith.constant 0 : i32
    %dma_wait3A_62 = arith.constant 0 : i32
    %dma_wait3A_63 = tpu.memref_slice %arg6[%dma_wait3A, %dma_wait3A_61, %dma_wait3A_62] : memref<4x128x64xf32, #tpu.memory_space<vmem>> -> memref<1x128x64xf32, #tpu.memory_space<vmem>>
    %dma_wait3A_64 = tpu.memref_squeeze %dma_wait3A_63 : memref<1x128x64xf32, #tpu.memory_space<vmem>> -> memref<128x64xf32, #tpu.memory_space<vmem>>
    tpu.wait_dma2 semaphore(%arg11 : memref<!tpu.dma_semaphore, #tpu.memory_space<semaphore_mem>>) src(%dma_wait3A_64 : memref<128x64xf32, #tpu.memory_space<vmem>>) dst(%dma_wait3A_60 : memref<128x64xf32, #tpu.memory_space<hbm>>)
    %dma_wait3A_65 = arith.constant 1 : i32
    %dma_wait3A_66 = arith.constant 0 : i32
    %dma_wait3A_67 = arith.constant 0 : i32
    %dma_wait3A_68 = tpu.memref_slice %arg6[%dma_wait3A_65, %dma_wait3A_66, %dma_wait3A_67] : memref<4x128x64xf32, #tpu.memory_space<vmem>> -> memref<1x128x64xf32, #tpu.memory_space<vmem>>
    %dma_wait3A_69 = tpu.memref_squeeze %dma_wait3A_68 : memref<1x128x64xf32, #tpu.memory_space<vmem>> -> memref<128x64xf32, #tpu.memory_space<vmem>>
    %dma_wait3A_70 = arith.constant 0 : i32
    %dma_wait3A_71 = arith.constant 0 : i32
    %dma_wait3A_72 = tpu.memref_slice %arg4[%dma_wait3A_70, %dma_wait3A_71] : memref<819200x64xf32, #tpu.memory_space<hbm>> -> memref<128x64xf32, #tpu.memory_space<hbm>>
    %dma_wait3A_73 = arith.constant 0 : i32
    %dma_wait3A_74 = arith.constant 0 : i32
    %dma_wait3A_75 = tpu.memref_slice %arg4[%dma_wait3A_73, %dma_wait3A_74] : memref<819200x64xf32, #tpu.memory_space<hbm>> -> memref<128x64xf32, #tpu.memory_space<hbm>>
    %dma_wait3A_76 = arith.constant 0 : i32
    %dma_wait3A_77 = arith.constant 0 : i32
    %dma_wait3A_78 = tpu.memref_slice %arg6[%dma_wait3A_65, %dma_wait3A_76, %dma_wait3A_77] : memref<4x128x64xf32, #tpu.memory_space<vmem>> -> memref<1x128x64xf32, #tpu.memory_space<vmem>>
    %dma_wait3A_79 = tpu.memref_squeeze %dma_wait3A_78 : memref<1x128x64xf32, #tpu.memory_space<vmem>> -> memref<128x64xf32, #tpu.memory_space<vmem>>
    tpu.wait_dma2 semaphore(%arg12 : memref<!tpu.dma_semaphore, #tpu.memory_space<semaphore_mem>>) src(%dma_wait3A_79 : memref<128x64xf32, #tpu.memory_space<vmem>>) dst(%dma_wait3A_75 : memref<128x64xf32, #tpu.memory_space<hbm>>)
    %dma_wait3A_80 = arith.constant 2 : i32
    %dma_wait3A_81 = arith.constant 0 : i32
    %dma_wait3A_82 = arith.constant 0 : i32
    %dma_wait3A_83 = tpu.memref_slice %arg6[%dma_wait3A_80, %dma_wait3A_81, %dma_wait3A_82] : memref<4x128x64xf32, #tpu.memory_space<vmem>> -> memref<1x128x64xf32, #tpu.memory_space<vmem>>
    %dma_wait3A_84 = tpu.memref_squeeze %dma_wait3A_83 : memref<1x128x64xf32, #tpu.memory_space<vmem>> -> memref<128x64xf32, #tpu.memory_space<vmem>>
    %dma_wait3A_85 = arith.constant 0 : i32
    %dma_wait3A_86 = arith.constant 0 : i32
    %dma_wait3A_87 = tpu.memref_slice %arg4[%dma_wait3A_85, %dma_wait3A_86] : memref<819200x64xf32, #tpu.memory_space<hbm>> -> memref<128x64xf32, #tpu.memory_space<hbm>>
    %dma_wait3A_88 = arith.constant 0 : i32
    %dma_wait3A_89 = arith.constant 0 : i32
    %dma_wait3A_90 = tpu.memref_slice %arg4[%dma_wait3A_88, %dma_wait3A_89] : memref<819200x64xf32, #tpu.memory_space<hbm>> -> memref<128x64xf32, #tpu.memory_space<hbm>>
    %dma_wait3A_91 = arith.constant 0 : i32
    %dma_wait3A_92 = arith.constant 0 : i32
    %dma_wait3A_93 = tpu.memref_slice %arg6[%dma_wait3A_80, %dma_wait3A_91, %dma_wait3A_92] : memref<4x128x64xf32, #tpu.memory_space<vmem>> -> memref<1x128x64xf32, #tpu.memory_space<vmem>>
    %dma_wait3A_94 = tpu.memref_squeeze %dma_wait3A_93 : memref<1x128x64xf32, #tpu.memory_space<vmem>> -> memref<128x64xf32, #tpu.memory_space<vmem>>
    tpu.wait_dma2 semaphore(%arg13 : memref<!tpu.dma_semaphore, #tpu.memory_space<semaphore_mem>>) src(%dma_wait3A_94 : memref<128x64xf32, #tpu.memory_space<vmem>>) dst(%dma_wait3A_90 : memref<128x64xf32, #tpu.memory_space<hbm>>)
    %dma_wait3A_95 = arith.constant 3 : i32
    %dma_wait3A_96 = arith.constant 0 : i32
    %dma_wait3A_97 = arith.constant 0 : i32
    %dma_wait3A_98 = tpu.memref_slice %arg6[%dma_wait3A_95, %dma_wait3A_96, %dma_wait3A_97] : memref<4x128x64xf32, #tpu.memory_space<vmem>> -> memref<1x128x64xf32, #tpu.memory_space<vmem>>
    %dma_wait3A_99 = tpu.memref_squeeze %dma_wait3A_98 : memref<1x128x64xf32, #tpu.memory_space<vmem>> -> memref<128x64xf32, #tpu.memory_space<vmem>>
    %dma_wait3A_100 = arith.constant 0 : i32
    %dma_wait3A_101 = arith.constant 0 : i32
    %dma_wait3A_102 = tpu.memref_slice %arg4[%dma_wait3A_100, %dma_wait3A_101] : memref<819200x64xf32, #tpu.memory_space<hbm>> -> memref<128x64xf32, #tpu.memory_space<hbm>>
    %dma_wait3A_103 = arith.constant 0 : i32
    %dma_wait3A_104 = arith.constant 0 : i32
    %dma_wait3A_105 = tpu.memref_slice %arg4[%dma_wait3A_103, %dma_wait3A_104] : memref<819200x64xf32, #tpu.memory_space<hbm>> -> memref<128x64xf32, #tpu.memory_space<hbm>>
    %dma_wait3A_106 = arith.constant 0 : i32
    %dma_wait3A_107 = arith.constant 0 : i32
    %dma_wait3A_108 = tpu.memref_slice %arg6[%dma_wait3A_95, %dma_wait3A_106, %dma_wait3A_107] : memref<4x128x64xf32, #tpu.memory_space<vmem>> -> memref<1x128x64xf32, #tpu.memory_space<vmem>>
    %dma_wait3A_109 = tpu.memref_squeeze %dma_wait3A_108 : memref<1x128x64xf32, #tpu.memory_space<vmem>> -> memref<128x64xf32, #tpu.memory_space<vmem>>
    tpu.wait_dma2 semaphore(%arg14 : memref<!tpu.dma_semaphore, #tpu.memory_space<semaphore_mem>>) src(%dma_wait3A_109 : memref<128x64xf32, #tpu.memory_space<vmem>>) dst(%dma_wait3A_105 : memref<128x64xf32, #tpu.memory_space<hbm>>)
    return
  }
}

</mosaic_0001>

<sc_bundles>
// kernel: kernel.3.cloned.1.call-start
scs
__scs_entry_jumppad:
0x0: {  	(pc) =	sbr.rel $0x88, $3  }
0x1: {  	(tag) =	ssettag $0x0;
	lr =	simm.s32 $0x1  }
0x2: {  	[smem:$0x3F9F] =	sst lr;
	_ =	strace $0xD0000000  }
0x3: {  	_ = 	snop  }
0x4: {  	_ = 	snop  }
0x5: {  	_ = 	snop  }
0x6: {  	_ = 	snop  }
0x7: {  	_ = 	snop  }
__scs_overlays_trampoline_lowered:
0x8: {  	[smem:$0x3FAE] =	sst s0  }
0x9: {  	[smem:$0x3FAF] =	sst s1  }
0xa: {  	[smem:$0x3FB0] =	sst s2  }
0xb: {  	[smem:$0x3FB1] =	sst s3  }
0xc: {  	[smem:$0x3FB2] =	sst s4  }
0xd: {  	[smem:$0x3FB3] =	sst s5  }
0xe: {  	[smem:$0x3FB4] =	sst s6  }
0xf: {  	[smem:$0x3FB5] =	sst s7  }
0x10: {  	[smem:$0x3FB6] =	sst s8  }
0x11: {  	[smem:$0x3FB7] =	sst s9;
	s0 =	simm.s32 @!p0 $0x0  }
0x12: {  	s1 =	sld [smem:$0x3F9D];
	s0 =	simm.s32 @p0 $0x1  }
0x13: {  	[smem:$0x3FB8] =	sst s0;
	s0 =	simm.s32 @!p1 $0x0  }
0x14: {  	s2 =	sld [smem:$0x3F9C];
	s0 =	simm.s32 @p1 $0x1  }
0x15: {  	[smem:$0x3FB9] =	sst s0;
	s0 =	simm.s32 @!p2 $0x0  }
0x16: {  	s3 =	sld [smem:$0x3FDB];
	s0 =	simm.s32 @p2 $0x1  }
0x17: {  	s4 =	simm.s32 $0x1BF5;
	[smem:$0x3FBB] =	sst s0  }
0x18: {  	s0 =	sld [smem:$0x3F9E];
	_ =	swait.ge [sflag:s4], $0x0  }
0x19: {  	s7 =	sld [smem:$0x3F9F]  }
0x1a: {  	s8 =	sadd.s32 $0xFFFFE003, lr  }
0x1b: {  	s9 =	sadd.s32 $0xFFFFFEF7, lr;
	s5 =	simm.s32 $0xFFFFFFFF;
	p2 =	slt.u32 s8, $0xFFFFF086  }
0x1c: {  	p1 =	slt.u32 s9, $0xF7A;
	s5 =	simm.s32 @!p2 $0x0  }
0x1d: {  	s5 =	simm.s32 @p1 $0x1;
	p0 =	seq.s32 s7, s2  }
0x1e: {  	s7 =	smul.u32 @!p0 $0xF7A, s2;
	p2 =	seq.s32 @!p0 s5, $0x0  }
0x1f: {  	s9 =	smul.u32 $0xF7A, s1;
	s8 =	simm.s32 @!p0 $0x1BF5;
	p2 =	por !p2, p0  }
0x20: {  	[sflag:s8] =	ssyncset.s32 @!p0 $0xFFFFF086;
	s6 =	sadd.s32 @!p0 s3, s7;
	s7 =	simm.s32 @!p0 $0x108  }
0x21: {  	s3 =	sadd.s32 s3, s9;
	s6 =	sadd.s32 @!p0 $0x88, s6;
	s7 =	simm.s32 @p2 $0x1082  }
0x22: {  	[simem:s7], [sflag:s8] =	dma.local @!p0 [hbm:s6], $0xF7A  }
0x23: {  	s9 =	sor.u32 $0xD0000000, s2;
	s6 =	simm.s32 $0x108;
	_ =	swait.ge @!p0 [sflag:s8], $0x0  }
0x24: {  	s3 =	sadd.s32 $0x88, s3;
	s6 =	simm.s32 @!p1 $0x1082;
	[sflag:s4] =	ssyncset.s32 $0xFFFFF086  }
0x25: {  	[simem:s6], [sflag:s4] =	dma.local [hbm:s3], $0xF7A  }
0x26: {  	[smem:$0x3F9F] =	sst s1;
	(tag) =	ssettag s2;
	_ =	strace s9  }
0x27: {  	s1 =	sld [smem:$0x3FAF]  }
0x28: {  	s2 =	sld [smem:$0x3FB0]  }
0x29: {  	s4 =	sld [smem:$0x3FB2]  }
0x2a: {  	p0 =	seq.s32 s5, $0x0;
	s5 =	sld [smem:$0x3FB3]  }
0x2b: {  	s6 =	sld [smem:$0x3FB4]  }
0x2c: {  	s7 =	sld [smem:$0x3FB5]  }
0x2d: {  	s3 =	simm.s32 $0x108;
	s8 =	sld [smem:$0x3FB6]  }
0x2e: {  	s3 =	simm.s32 @!p0 $0x1082;
	s9 =	sld [smem:$0x3FB7]  }
0x2f: {  	lr =	sadd.s32 s0, s3;
	s0 =	sld [smem:$0x3FAE]  }
0x30: {  	s3 =	sld [smem:$0x3FB1]  }
0x31: {  	[smem:$0x3FBA] =	sst s10  }
0x32: {  	s10 =	sld [smem:$0x3FB8];
	_ =	sdelay $0x3  }
0x33: {  	p0 =	seq.s32 s10, $0x1;
	s10 =	sld [smem:$0x3FBA];
	_ =	sdelay $0x3  }
0x34: {  	[smem:$0x3FBA] =	sst s10  }
0x35: {  	s10 =	sld [smem:$0x3FB9];
	_ =	sdelay $0x3  }
0x36: {  	p1 =	seq.s32 s10, $0x1;
	s10 =	sld [smem:$0x3FBA];
	_ =	sdelay $0x3  }
0x37: {  	[smem:$0x3FBA] =	sst s10  }
0x38: {  	s10 =	sld [smem:$0x3FBB]  }
0x39: {  	_ = 	snop;
	(pc) =	sbr.ind lr, $3  }
0x3a: {  	_ = 	snop  }
0x3b: {  	_ = 	snop  }
0x3c: {  	p2 =	seq.s32 s10, $0x1;
	s10 =	sld [smem:$0x3FBA]  }
0x3d: {  	_ =	shalt  }
0x3e: {  	_ =	shalt  }
0x3f: {  	_ =	shalt  }
0x40: {  	_ =	shalt  }
0x41: {  	_ =	shalt  }
0x42: {  	_ =	shalt  }
0x43: {  	_ =	shalt  }
0x44: {  	_ =	shalt  }
0x45: {  	_ =	shalt  }
0x46: {  	_ =	shalt  }
0x47: {  	_ =	shalt  }
0x48: {  	_ =	shalt  }
0x49: {  	_ =	shalt  }
0x4a: {  	_ =	shalt  }
0x4b: {  	_ =	shalt  }
0x4c: {  	_ =	shalt  }
0x4d: {  	_ =	shalt  }
0x4e: {  	_ =	shalt  }
0x4f: {  	_ =	shalt  }
0x50: {  	_ =	shalt  }
0x51: {  	_ =	shalt  }
0x52: {  	_ =	shalt  }
0x53: {  	_ =	shalt  }
0x54: {  	_ =	shalt  }
0x55: {  	_ =	shalt  }
0x56: {  	_ =	shalt  }
0x57: {  	_ =	shalt  }
0x58: {  	_ =	shalt  }
0x59: {  	_ =	shalt  }
0x5a: {  	_ =	shalt  }
0x5b: {  	_ =	shalt  }
0x5c: {  	_ =	shalt  }
0x5d: {  	_ =	shalt  }
0x5e: {  	_ =	shalt  }
0x5f: {  	_ =	shalt  }
0x60: {  	_ =	shalt  }
0x61: {  	_ =	shalt  }
0x62: {  	_ =	shalt  }
0x63: {  	_ =	shalt  }
0x64: {  	_ =	shalt  }
0x65: {  	_ =	shalt  }
0x66: {  	_ =	shalt  }
0x67: {  	_ =	shalt  }
0x68: {  	_ =	shalt  }
0x69: {  	_ =	shalt  }
0x6a: {  	_ =	shalt  }
0x6b: {  	_ =	shalt  }
0x6c: {  	_ =	shalt  }
0x6d: {  	_ =	shalt  }
0x6e: {  	_ =	shalt  }
0x6f: {  	_ =	shalt  }
0x70: {  	_ =	shalt  }
0x71: {  	_ =	shalt  }
0x72: {  	_ =	shalt  }
0x73: {  	_ =	shalt  }
0x74: {  	_ =	shalt  }
0x75: {  	_ =	shalt  }
0x76: {  	_ =	shalt  }
0x77: {  	_ =	shalt  }
0x78: {  	_ =	shalt  }
0x79: {  	_ =	shalt  }
0x7a: {  	_ =	shalt  }
0x7b: {  	_ =	shalt  }
0x7c: {  	_ =	shalt  }
0x7d: {  	_ =	shalt  }
0x7e: {  	_ =	shalt  }
0x7f: {  	_ =	shalt  }
0x80: {  	_ =	shalt  }
0x81: {  	_ =	shalt  }
0x82: {  	_ =	shalt  }
0x83: {  	_ =	shalt  }
0x84: {  	_ =	shalt  }
0x85: {  	_ =	shalt  }
0x86: {  	_ =	shalt  }
0x87: {  	_ =	shalt  }
.Lfunc_end0:
.L_simem_size_0:
called_computation.1_lowered:
.L_overlay_start_0:
0x88: {  	s2 =	sld [smem:$0x3FD9]  }
0x89: {  	s3 =	sld [smem:$0x3FFE];
	_ =	sdelay $0x1  }
0x8a: {  	s1 =	srdreg.scid  }
0x8b: {  	s0 =	sand.u32 $0x1, s1  }
0x8c: {  	s17 =	sshll.u32 s0, $0xA;
	s2 =	sadd.s32 s3, s2  }
0x8d: {  	s2 =	sadd.s32 s2, s17  }
0x8e: {  	[smem:$0x3FC6] =	sst s2  }
0x8f: {  	_ = 	snop  }
0x90: {  	s2 =	sld [smem:$0x3FD0];
	(tm) =	ssettm $0x1  }
0x91: {  	s18 =	sld [smem:$0x3FFB];
	_ =	sdelay $0x3  }
0x92: {  	_ =	strace s18  }
0x93: {  	s3 =	sld [smem:$0x3FFC];
	_ =	sdelay $0x3  }
0x94: {  	_ =	strace s3  }
0x95: {  	s3 =	sld [smem:$0x3FFD];
	_ =	sdelay $0x3  }
0x96: {  	_ =	strace s3  }
0x97: {  	_ =	strace $0x8FFFFFFF  }
0x98: {  	s19 =	sld [smem:$0x3FDB];
	_ =	sdelay $0x1  }
0x99: {  	s4 =	simm.s32 $_scs_section_size  }
0x9a: {  	s5 =	simm.s32 $_size__tile_overlayer_lowered;
	s6 =	simm.s32 $_tile_overlayer_lowered  }
0x9b: {  	s22 =	simm.s32 $0x1BFF;
	s21 =	sshll.u32 s6, $0x1;
	s3 =	sadd.s32 s4, s19  }
0x9c: {  	s7 =	simm.s32 $0x0;
	s20 =	sshll.u32 s5, $0x1;
	s5 =	sadd.s32 s21, s3  }
0x9d: {  	[timem:s7], [sflag:s22] =	dma.local [hbm:s5], s20  }
0x9e: {  	_ =	swait.ge [sflag:s22], s20  }
0x9f: {  	s4 =	ssub.s32 $0x0, s20;
	[sflag:s22] =	ssyncset.done $0x0  }
0xa0: {  	[sflag:s22] =	ssyncadd.s32 s4;
	_ =	sdelay $0x1  }
0xa1: {  	s23 =	simm.s32 $0x1B8B  }
0xa2: {  	_ =	swait.ge [sflag:s23], $0x1  }
0xa3: {  	[sflag:s23] =	ssyncset.done $0x0  }
0xa4: {  	s25 =	simm.s32 $0x1B8E;
	s24 =	sld [smem:$0x3FFE];
	[sflag:s23] =	ssyncadd.s32 $0xFFFFFFFF  }
0xa5: {  	s26 =	simm.s32 $execute0_lowered;
	[smem:$0x3FD2] =	sst s25  }
0xa6: {  	s5 =	sshll.u32 s26, $0x1;
	_ =	strace $0x80000046;
	[dreg:$0x1] =	wrdreg $0xFFFFFFFF  }
0xa7: {  	s28 =	simm.s32 $_size_execute0_lowered;
	s3 =	sadd.s32 s3, s5;
	[dreg:$0x0] =	wrdreg $0x0  }
0xa8: {  	s5 =	sshll.u32 s28, $0x1;
	[dreg:$0x2] =	wrdreg s3  }
0xa9: {  	[dreg:$0x3] =	wrdreg s5  }
0xaa: {  	[dreg:$0x4] =	wrdreg $0xC0  }
0xab: {  	_ =	task [dreg:s7], $0x5FFFF  }
0xac: {  	[dreg:$0x1] =	wrdreg $0xFFFFFFFF  }
0xad: {  	[dreg:$0x0] =	wrdreg $0x60  }
0xae: {  	[dreg:$0x2] =	wrdreg s24  }
0xaf: {  	[dreg:$0x3] =	wrdreg s2  }
0xb0: {  	[dreg:$0x4] =	wrdreg $0x9  }
0xb1: {  	_ =	task.clear_ibuf [dreg:s7], $0x5FFFF;
	_ =	strace $0x90000046  }
0xb2: {  	s29 =	simm.s32 $0x9;
	_ =	strace $0x80000048  }
0xb3: {  	_ =	swait.ge [sflag:s29], $0x1  }
0xb4: {  	[sflag:s29] =	ssyncadd.s32 $0xFFFFFFFF  }
0xb5: {  	_ =	strace $0x90000048  }
0xb6: {  	_ =	sfence  }
0xb7: {  	s30 =	sld [smem:$0x0];
	_ =	sdelay $0x2  }
0xb8: {  	s31 =	sshll.u32 s1, $0xD;
	s1 =	sshrl.u32 s1, $0x2  }
0xb9: {  	s3 =	sand.u32 $0x4000, s31;
	s1 =	sadd.s32 s1, s30  }
0xba: {  	s0 =	sor.u32 s3, s0;
	s1 =	sshll.u32 s1, $0x11  }
0xbb: {  	s0 =	sor.u32 s1, s0  }
0xbc: {  	s0 =	sadd.s32 $0x8F2B, s0  }
0xbd: {  	[sflag:s0] =	ssyncadd.remote.s32 $0x1  }
0xbe: {  	_ =	sfence.sel $0xFFFF  }
0xbf: {  	[dreg:$0x0] =	wrdreg $0xFFFFFFFF;
	(pc) =	sbr.abs _section_cstart, $3  }
0xc0: {  	[dreg:$0x1] =	wrdreg $0xFFFFFFFF  }
0xc1: {  	_ =	task.clear_ibuf [dreg:s7], $0x2FFFF;
	_ =	strace $0x9FFFFFFF  }
0xc2: {  	(tm) =	ssettm $0x7FFFFFFF  }
0xc3: {  	_ =	shalt  }
tec
execute0_lowered:
.L_overlay_start_1:
0x0: {  	(tag) =	ssettag $0x1  }
0x1: {  	s0 =	rddreg [dreg:$0x0];
	s1 =	srdreg.scid  }
0x2: {  	s3 =	stileid.u32;
	s2 =	rddreg [dreg:$0x1]  }
0x3: {  	s17 =	simm.s32 $0x9;
	s18 =	simm.s32 $0x80;
	s19 =	simm.s32 $0x200  }
0x4: {  	s20 =	simm.s32 $0x2200;
	s21 =	simm.s32 $0x100;
	s22 =	simm.s32 $0x4200  }
0x5: {  	s23 =	simm.s32 $0x1;
	s24 =	simm.s32 $0x180;
	s25 =	simm.s32 $0x6200  }
0x6: {  	s28 =	simm.s32 $0x3;
	s29 =	simm.s32 $0x4;
	s1 =	sand.u32 $0x1, s1  }
0x7: {  	s4 =	sshll.u32 s3, $0x1;
	s3 =	simm.s32 $0x0;
	s5 =	sadd.s32 $0xA00, s0  }
0x8: {  	s6 =	sadd.s32 $0xF42E00, s0;
	s7 =	sor.u32 s1, s4;
	s1 =	ssub.s32 $0x2, s1  }
0x9: {  	[smem:$0x7FF] =	sst s3;
	s4 =	smul.u32 $0x6400, s7;
	s26 =	sshrl.u32 s1, $0x1  }
0xa: {  	_ =	strace $0x80000047;
	s10 =	smul.u32 $0x190000, s7;
	s0 =	ssub.s32 s1, s26  }
0xb: {  	s26 =	simm.s32 $0x2;
	s1 =	simm.s32 $0x7;
	s8 =	sshrl.u32 s4, $0x3  }
.Ltmp0:
0xc: {  	s11 =	sor.u32 $0x80, s4;
	s0 =	smax.u32 s0, $0x1;
	(pc) =	sbr.rel .LBB2_1-.Ltmp0, $4  }
0xd: {  	s12 =	sor.u32 $0x200, s4;
	s8 =	sadd.s32 s5, s8;
	[dreg:$0x6] =	wrdreg s0  }
0xe: {  	s13 =	sor.u32 $0x100, s4;
	s30 =	sadd.s32 $0x10, s8;
	[dreg:$0x3] =	wrdreg s8  }
0xf: {  	s14 =	sor.u32 $0x280, s4;
	s31 =	sadd.s32 $0x20, s8;
	[dreg:$0x4] =	wrdreg s30  }
0x10: {  	s15 =	sor.u32 $0x300, s4;
	s8 =	simm.s32 $0x0;
	[dreg:$0x5] =	wrdreg s31  }
.LBB2_12:
0x11: {  	s0 =	simm.s32 $0x5  }
0x12: {  	_ =	swait.ge [sflag:s0], $0x2000  }
0x13: {  	[sflag:s0] =	ssyncset.done $0x0  }
0x14: {  	s30 =	simm.s32 $0x6;
	[sflag:s0] =	ssyncadd.s32 $0xFFFFE000  }
0x15: {  	_ =	swait.ge [sflag:s30], $0x2000  }
0x16: {  	[sflag:s30] =	ssyncset.done $0x0  }
0x17: {  	[sflag:s30] =	ssyncadd.s32 $0xFFFFE000  }
0x18: {  	_ =	swait.ge [sflag:s1], $0x2000  }
0x19: {  	[sflag:s1] =	ssyncset.done $0x0  }
0x1a: {  	s7 =	simm.s32 $0x8;
	[sflag:s1] =	ssyncadd.s32 $0xFFFFE000  }
0x1b: {  	_ =	swait.ge [sflag:s7], $0x2000  }
0x1c: {  	s8 =	sadd.s32 $0x1, s8;
	s31 =	rddreg [dreg:$0x6]  }
0x1d: {  	p0 =	sne.s32 s8, s31  }
.Ltmp1:
0x1e: {  	_ = 	snop;
	(pc) =	sbr.rel @!p0 .LBB2_13-.Ltmp1, $3  }
0x1f: {  	_ =	sdelay $0x1  }
0x20: {  	[sflag:s7] =	ssyncset.done $0x0  }
0x21: {  	[sflag:s7] =	ssyncadd.s32 $0xFFFFE000  }
.LBB2_1:
0x22: {  	s0 =	rddreg [dreg:$0x3]  }
0x23: {  	[tilespmem:s3], [sflag:$0x9] =	stream.linear.gather [hbm4b:s0+s3], $0x80, $0x38;
	[tilespmem:$0x8200] =	vst v63  }
0x24: {  	_ =	swait.ge [sflag:s17], $0x80  }
0x25: {  	[sflag:s17] =	ssyncset.done $0x0  }
0x26: {  	[sflag:s17] =	ssyncadd.s32 $0xFFFFFF80  }
0x27: {  	[tilespmem:s19], [sflag:$0x1] =	stream.indirect.gather [hbm4b:s6+s18], $0x40, s3, s18, $0xb8;
	[tilespmem:$0x8200] =	vst v63  }
0x28: {  	s30 =	rddreg [dreg:$0x4]  }
0x29: {  	[tilespmem:s18], [sflag:$0x9] =	stream.linear.gather [hbm4b:s30+s3], $0x80, $0x38;
	[tilespmem:$0x8200] =	vst v63  }
0x2a: {  	_ =	swait.ge [sflag:s17], $0x80  }
0x2b: {  	[sflag:s17] =	ssyncset.done $0x0  }
0x2c: {  	[sflag:s17] =	ssyncadd.s32 $0xFFFFFF80  }
0x2d: {  	[tilespmem:s20], [sflag:$0x2] =	stream.indirect.gather [hbm4b:s6+s18], $0x40, s18, s18, $0xb8;
	[tilespmem:$0x8200] =	vst v63  }
0x2e: {  	s31 =	rddreg [dreg:$0x5]  }
0x2f: {  	[tilespmem:s21], [sflag:$0x9] =	stream.linear.gather [hbm4b:s31+s3], $0x80, $0x38;
	[tilespmem:$0x8200] =	vst v63  }
0x30: {  	_ =	swait.ge [sflag:s17], $0x80  }
0x31: {  	[sflag:s17] =	ssyncset.done $0x0  }
0x32: {  	s9 =	simm.s32 $0x0;
	[sflag:s17] =	ssyncadd.s32 $0xFFFFFF80  }
0x33: {  	[tilespmem:s22], [sflag:$0x3] =	stream.indirect.gather [hbm4b:s6+s18], $0x40, s21, s18, $0xb8;
	[tilespmem:$0x8200] =	vst v63  }
.LBB2_2:
0x34: {  	_ =	swait.ge [sflag:s23], $0x2000  }
0x35: {  	[sflag:s23] =	ssyncset.done $0x0  }
0x36: {  	s7 =	simm.s32 $0x280;
	[sflag:s23] =	ssyncadd.s32 $0xFFFFE000  }
0x37: {  	v0 =	vld [tilespmem:s7+$0x70]  }
0x38: {  	v1 =	vld [tilespmem:s7+$0xFFFFFF90]  }
0x39: {  	v2 =	vld [tilespmem:s7+$0xFFFFFFA0]  }
0x3a: {  	v3 =	vld [tilespmem:s7+$0xFFFFFFB0]  }
0x3b: {  	v4 =	vld [tilespmem:s7+$0xFFFFFFC0]  }
0x3c: {  	v5 =	vld [tilespmem:s7+$0xFFFFFFD0];
	v0 =	vmul.f32 $8.000000000e+00, v0  }
0x3d: {  	v6 =	vld [tilespmem:s7+$0xFFFFFFE0];
	v1 =	vmul.f32 $8.000000000e+00, v1  }
0x3e: {  	v7 =	vld [tilespmem:s7+$0xFFFFFFF0];
	v2 =	vmul.f32 $8.000000000e+00, v2;
	[tilespmem:s7+$0x70] =	vst v0  }
0x3f: {  	[tilespmem:s7+$0xFFFFFF90] =	vst v1;
	v0 =	vmul.f32 $8.000000000e+00, v3;
	v3 =	vld [tilespmem:s7+$0x0]  }
0x40: {  	[tilespmem:s7+$0xFFFFFFA0] =	vst v2;
	v1 =	vmul.f32 $8.000000000e+00, v4;
	v4 =	vld [tilespmem:s7+$0x10]  }
0x41: {  	v8 =	vld [tilespmem:s7+$0x20];
	v2 =	vmul.f32 $8.000000000e+00, v5;
	[tilespmem:s7+$0xFFFFFFB0] =	vst v0  }
0x42: {  	v5 =	vmul.f32 $8.000000000e+00, v6;
	[tilespmem:s7+$0xFFFFFFC0] =	vst v1;
	v0 =	vld [tilespmem:s7+$0x30]  }
0x43: {  	v6 =	vmul.f32 $8.000000000e+00, v7;
	[tilespmem:s7+$0xFFFFFFD0] =	vst v2;
	v1 =	vld [tilespmem:s7+$0x40]  }
0x44: {  	[tilespmem:s7+$0xFFFFFFE0] =	vst v5;
	v2 =	vld [tilespmem:s7+$0x50];
	v7 =	vmul.f32 $8.000000000e+00, v3  }
0x45: {  	[tilespmem:s7+$0xFFFFFFF0] =	vst v6;
	v3 =	vld [tilespmem:s7+$0x60];
	v5 =	vmul.f32 $8.000000000e+00, v4  }
0x46: {  	s16 =	simm.s32 $0x0;
	s30 =	simm.s32 $0x380;
	v6 =	vmul.f32 $8.000000000e+00, v8;
	v4 =	vld [tilespmem:s7+$0xFFFFFF80];
	[tilespmem:s7+$0x0] =	vst v7  }
.LBB2_3:
0x47: {  	v7 =	vld [tilespmem:s30+$0x70];
	s16 =	sadd.s32 $0x4, s16;
	[tilespmem:s7+$0x10] =	vst v5;
	v0 =	vmul.f32 $8.000000000e+00, v0  }
0x48: {  	v5 =	vld [tilespmem:s30+$0xFFFFFF90];
	p0 =	slt.u32 s16, $0x7C;
	[tilespmem:s7+$0x20] =	vst v6;
	v1 =	vmul.f32 $8.000000000e+00, v1  }
0x49: {  	v6 =	vld [tilespmem:s30+$0xFFFFFFA0];
	[tilespmem:s7+$0x30] =	vst v0;
	v0 =	vmul.f32 $8.000000000e+00, v2  }
0x4a: {  	v2 =	vld [tilespmem:s30+$0xFFFFFFB0];
	[tilespmem:s7+$0x40] =	vst v1;
	v1 =	vmul.f32 $8.000000000e+00, v3  }
0x4b: {  	v3 =	vld [tilespmem:s30+$0xFFFFFFC0];
	v4 =	vmul.f32 $8.000000000e+00, v4;
	[tilespmem:s7+$0x50] =	vst v0  }
0x4c: {  	v0 =	vld [tilespmem:s30+$0xFFFFFFD0];
	v7 =	vmul.f32 $8.000000000e+00, v7;
	[tilespmem:s7+$0x60] =	vst v1  }
0x4d: {  	v1 =	vmul.f32 $8.000000000e+00, v5;
	v5 =	vld [tilespmem:s30+$0xFFFFFFE0];
	[tilespmem:s7+$0xFFFFFF80] =	vst v4;
	s7 =	smov.u32 s30  }
0x4e: {  	v4 =	vmul.f32 $8.000000000e+00, v6;
	v6 =	vld [tilespmem:s30+$0xFFFFFFF0];
	[tilespmem:s30+$0x70] =	vst v7  }
0x4f: {  	[tilespmem:s30+$0xFFFFFF90] =	vst v1;
	v1 =	vmul.f32 $8.000000000e+00, v2;
	v2 =	vld [tilespmem:s30+$0x0]  }
0x50: {  	[tilespmem:s30+$0xFFFFFFA0] =	vst v4;
	v3 =	vmul.f32 $8.000000000e+00, v3;
	v4 =	vld [tilespmem:s30+$0x10]  }
0x51: {  	[tilespmem:s30+$0xFFFFFFB0] =	vst v1;
	v1 =	vmul.f32 $8.000000000e+00, v0;
	v7 =	vld [tilespmem:s30+$0x20]  }
.Ltmp2:
0x52: {  	[tilespmem:s30+$0xFFFFFFC0] =	vst v3;
	v3 =	vmul.f32 $8.000000000e+00, v5;
	v0 =	vld [tilespmem:s30+$0x30];
	(pc) =	sbr.rel @p0 .LBB2_3-.Ltmp2, $4  }
0x53: {  	[tilespmem:s30+$0xFFFFFFD0] =	vst v1;
	v5 =	vmul.f32 $8.000000000e+00, v6;
	v1 =	vld [tilespmem:s30+$0x40]  }
0x54: {  	[tilespmem:s30+$0xFFFFFFE0] =	vst v3;
	v6 =	vmul.f32 $8.000000000e+00, v2;
	v2 =	vld [tilespmem:s30+$0x50]  }
0x55: {  	[tilespmem:s30+$0xFFFFFFF0] =	vst v5;
	v5 =	vmul.f32 $8.000000000e+00, v4;
	v3 =	vld [tilespmem:s30+$0x60]  }
0x56: {  	s30 =	sadd.s32 $0x100, s30;
	v4 =	vld [tilespmem:s7+$0xFFFFFF80];
	[tilespmem:s7+$0x0] =	vst v6;
	v6 =	vmul.f32 $8.000000000e+00, v7  }
0x57: {  	[tilespmem:s7+$0x10] =	vst v5;
	v0 =	vmul.f32 $8.000000000e+00, v0  }
0x58: {  	[tilespmem:s7+$0x20] =	vst v6;
	v1 =	vmul.f32 $8.000000000e+00, v1  }
0x59: {  	[tilespmem:s7+$0x30] =	vst v0;
	v0 =	vmul.f32 $8.000000000e+00, v2  }
0x5a: {  	s0 =	sshll.u32 s9, $0xF;
	[tilespmem:s7+$0x40] =	vst v1;
	v1 =	vmul.f32 $8.000000000e+00, v3  }
0x5b: {  	s0 =	sadd.s32 s10, s0;
	v2 =	vmul.f32 $8.000000000e+00, v4;
	[tilespmem:s7+$0x50] =	vst v0  }
0x5c: {  	s0 =	sshrl.u32 s0, $0x3;
	[tilespmem:s7+$0x60] =	vst v1  }
0x5d: {  	s16 =	sshllo.u32 s9, $0x2;
	p0 =	seq.s32 s9, $0x0;
	s0 =	sadd.s32 s2, s0;
	[tilespmem:s7+$0xFFFFFF80] =	vst v2  }
0x5e: {  	[hbm4b:s0+s3] =	stream.linear.scatter [tilespmem:s19], [sflag:$0x5], $0x2000, $0x38;
	[tilespmem:$0x8200] =	vst v63  }
0x5f: {  	s7 =	sshll.u32 s16, $0x7;
	s0 =	simm.s32 @!p0 $0x8  }
0x60: {  	s7 =	sadd.s32 s4, s7;
	_ =	swait.ge @!p0 [sflag:s0], $0x2000  }
0x61: {  	s7 =	sshrl.u32 s7, $0x3;
	[sflag:s0] =	ssyncset.done @!p0 $0x0  }
0x62: {  	s7 =	sadd.s32 s5, s7;
	[sflag:s0] =	ssyncadd.s32 @!p0 $0xFFFFE000  }
0x63: {  	[tilespmem:s24], [sflag:$0x9] =	stream.linear.gather [hbm4b:s7+s3], $0x80, $0x38;
	[tilespmem:$0x8200] =	vst v63  }
0x64: {  	_ =	swait.ge [sflag:s17], $0x80  }
0x65: {  	[sflag:s17] =	ssyncset.done $0x0  }
0x66: {  	[sflag:s17] =	ssyncadd.s32 $0xFFFFFF80  }
0x67: {  	[tilespmem:s25], [sflag:$0x4] =	stream.indirect.gather [hbm4b:s6+s18], $0x40, s24, s18, $0xb8;
	[tilespmem:$0x8200] =	vst v63  }
0x68: {  	_ =	swait.ge [sflag:s26], $0x2000  }
0x69: {  	[sflag:s26] =	ssyncset.done $0x0  }
0x6a: {  	s30 =	simm.s32 $0x22F0;
	[sflag:s26] =	ssyncadd.s32 $0xFFFFE000  }
0x6b: {  	v0 =	vld [tilespmem:s30+$0x0]  }
0x6c: {  	v1 =	vld [tilespmem:s30+$0xFFFFFF20]  }
0x6d: {  	v2 =	vld [tilespmem:s30+$0xFFFFFF30]  }
0x6e: {  	v3 =	vld [tilespmem:s30+$0xFFFFFF40]  }
0x6f: {  	v4 =	vld [tilespmem:s30+$0xFFFFFF50]  }
0x70: {  	v5 =	vld [tilespmem:s30+$0xFFFFFF60];
	v0 =	vmul.f32 $8.000000000e+00, v0  }
0x71: {  	v6 =	vld [tilespmem:s30+$0xFFFFFF70];
	v1 =	vmul.f32 $8.000000000e+00, v1  }
0x72: {  	v7 =	vld [tilespmem:s30+$0xFFFFFF80];
	v2 =	vmul.f32 $8.000000000e+00, v2;
	[tilespmem:s30+$0x0] =	vst v0  }
0x73: {  	[tilespmem:s30+$0xFFFFFF20] =	vst v1;
	v0 =	vmul.f32 $8.000000000e+00, v3;
	v3 =	vld [tilespmem:s30+$0xFFFFFF90]  }
0x74: {  	v8 =	vld [tilespmem:s30+$0xFFFFFFA0];
	[tilespmem:s30+$0xFFFFFF30] =	vst v2;
	v1 =	vmul.f32 $8.000000000e+00, v4  }
0x75: {  	v9 =	vld [tilespmem:s30+$0xFFFFFFB0];
	v2 =	vmul.f32 $8.000000000e+00, v5;
	[tilespmem:s30+$0xFFFFFF40] =	vst v0  }
0x76: {  	v4 =	vmul.f32 $8.000000000e+00, v6;
	[tilespmem:s30+$0xFFFFFF50] =	vst v1;
	v0 =	vld [tilespmem:s30+$0xFFFFFFC0]  }
0x77: {  	[tilespmem:s30+$0xFFFFFF60] =	vst v2;
	v2 =	vmul.f32 $8.000000000e+00, v7;
	v1 =	vld [tilespmem:s30+$0xFFFFFFD0]  }
0x78: {  	[tilespmem:s30+$0xFFFFFF70] =	vst v4;
	v4 =	vld [tilespmem:s30+$0xFFFFFFE0];
	v6 =	vmul.f32 $8.000000000e+00, v3  }
0x79: {  	v5 =	vmul.f32 $8.000000000e+00, v8;
	[tilespmem:s30+$0xFFFFFF80] =	vst v2;
	v2 =	vld [tilespmem:s30+$0xFFFFFFF0]  }
0x7a: {  	s31 =	simm.s32 $0x23F0;
	s7 =	simm.s32 $0x0;
	v3 =	vld [tilespmem:s30+$0xFFFFFF10];
	[tilespmem:s30+$0xFFFFFF90] =	vst v6;
	v6 =	vmul.f32 $8.000000000e+00, v9  }
.LBB2_5:
0x7b: {  	v7 =	vld [tilespmem:s31+$0x0];
	s7 =	sadd.s32 $0x4, s7;
	[tilespmem:s30+$0xFFFFFFA0] =	vst v5;
	v0 =	vmul.f32 $8.000000000e+00, v0  }
0x7c: {  	v5 =	vld [tilespmem:s31+$0xFFFFFF20];
	p0 =	slt.u32 s7, $0x7C;
	[tilespmem:s30+$0xFFFFFFB0] =	vst v6;
	v1 =	vmul.f32 $8.000000000e+00, v1  }
0x7d: {  	v6 =	vld [tilespmem:s31+$0xFFFFFF30];
	[tilespmem:s30+$0xFFFFFFC0] =	vst v0;
	v0 =	vmul.f32 $8.000000000e+00, v4  }
0x7e: {  	v4 =	vld [tilespmem:s31+$0xFFFFFF40];
	[tilespmem:s30+$0xFFFFFFD0] =	vst v1;
	v1 =	vmul.f32 $8.000000000e+00, v2  }
0x7f: {  	v2 =	vld [tilespmem:s31+$0xFFFFFF50];
	v3 =	vmul.f32 $8.000000000e+00, v3;
	[tilespmem:s30+$0xFFFFFFE0] =	vst v0  }
0x80: {  	v0 =	vld [tilespmem:s31+$0xFFFFFF60];
	v7 =	vmul.f32 $8.000000000e+00, v7;
	[tilespmem:s30+$0xFFFFFFF0] =	vst v1  }
0x81: {  	v1 =	vmul.f32 $8.000000000e+00, v5;
	v5 =	vld [tilespmem:s31+$0xFFFFFF70];
	[tilespmem:s30+$0xFFFFFF10] =	vst v3;
	s30 =	smov.u32 s31  }
0x82: {  	v3 =	vmul.f32 $8.000000000e+00, v6;
	v6 =	vld [tilespmem:s31+$0xFFFFFF80];
	[tilespmem:s31+$0x0] =	vst v7  }
0x83: {  	[tilespmem:s31+$0xFFFFFF20] =	vst v1;
	v1 =	vmul.f32 $8.000000000e+00, v4;
	v4 =	vld [tilespmem:s31+$0xFFFFFF90]  }
0x84: {  	[tilespmem:s31+$0xFFFFFF30] =	vst v3;
	v2 =	vmul.f32 $8.000000000e+00, v2;
	v3 =	vld [tilespmem:s31+$0xFFFFFFA0]  }
0x85: {  	[tilespmem:s31+$0xFFFFFF40] =	vst v1;
	v1 =	vmul.f32 $8.000000000e+00, v0;
	v7 =	vld [tilespmem:s31+$0xFFFFFFB0]  }
.Ltmp3:
0x86: {  	[tilespmem:s31+$0xFFFFFF50] =	vst v2;
	v2 =	vmul.f32 $8.000000000e+00, v5;
	v0 =	vld [tilespmem:s31+$0xFFFFFFC0];
	(pc) =	sbr.rel @p0 .LBB2_5-.Ltmp3, $4  }
0x87: {  	[tilespmem:s31+$0xFFFFFF60] =	vst v1;
	v5 =	vmul.f32 $8.000000000e+00, v6;
	v1 =	vld [tilespmem:s31+$0xFFFFFFD0]  }
0x88: {  	[tilespmem:s31+$0xFFFFFF70] =	vst v2;
	v6 =	vmul.f32 $8.000000000e+00, v4;
	v4 =	vld [tilespmem:s31+$0xFFFFFFE0]  }
0x89: {  	[tilespmem:s31+$0xFFFFFF80] =	vst v5;
	v5 =	vmul.f32 $8.000000000e+00, v3;
	v2 =	vld [tilespmem:s31+$0xFFFFFFF0]  }
0x8a: {  	s31 =	sadd.s32 $0x100, s31;
	v3 =	vld [tilespmem:s30+$0xFFFFFF10];
	[tilespmem:s30+$0xFFFFFF90] =	vst v6;
	v6 =	vmul.f32 $8.000000000e+00, v7  }
0x8b: {  	[tilespmem:s30+$0xFFFFFFA0] =	vst v5;
	v0 =	vmul.f32 $8.000000000e+00, v0  }
0x8c: {  	[tilespmem:s30+$0xFFFFFFB0] =	vst v6;
	v1 =	vmul.f32 $8.000000000e+00, v1  }
0x8d: {  	s7 =	sshll.u32 s9, $0x9;
	[tilespmem:s30+$0xFFFFFFC0] =	vst v0;
	v0 =	vmul.f32 $8.000000000e+00, v4  }
0x8e: {  	s0 =	sadd.s32 s7, s11;
	[tilespmem:s30+$0xFFFFFFD0] =	vst v1;
	v1 =	vmul.f32 $8.000000000e+00, v2  }
0x8f: {  	s0 =	sshll.u32 s0, $0x3;
	v2 =	vmul.f32 $8.000000000e+00, v3;
	[tilespmem:s30+$0xFFFFFFE0] =	vst v0  }
0x90: {  	s0 =	sand.u32 $0x1FFFF400, s0;
	[tilespmem:s30+$0xFFFFFFF0] =	vst v1  }
0x91: {  	p0 =	seq.s32 s9, $0x31;
	s0 =	sadd.s32 s2, s0;
	[tilespmem:s30+$0xFFFFFF10] =	vst v2  }
0x92: {  	[hbm4b:s0+s3] =	stream.linear.scatter [tilespmem:s20], [sflag:$0x6], $0x2000, $0x38;
	[tilespmem:$0x8200] =	vst v63  }
0x93: {  	s0 =	simm.s32 @!p0 $0x5  }
0x94: {  	s30 =	sadd.s32 @!p0 s7, s12;
	_ =	swait.ge @!p0 [sflag:s0], $0x2000  }
0x95: {  	s30 =	sshrl.u32 @!p0 s30, $0x3;
	[sflag:s0] =	ssyncset.done @!p0 $0x0  }
0x96: {  	[sflag:s0] =	ssyncadd.s32 @!p0 $0xFFFFE000;
	s0 =	sadd.s32 @!p0 s5, s30;
	s30 =	simm.s32 @!p0 $0x0  }
0x97: {  	[tilespmem:s30], [sflag:$0x9] =	stream.linear.gather @!p0 [hbm4b:s0+s30], $0x80, $0x38;
	[tilespmem:$0x8200] =	vst v63  }
0x98: {  	s0 =	simm.s32 @!p0 $0x9  }
0x99: {  	_ =	swait.ge @!p0 [sflag:s0], $0x80  }
0x9a: {  	[sflag:s0] =	ssyncset.done @!p0 $0x0  }
0x9b: {  	s31 =	simm.s32 @!p0 $0x200;
	[sflag:s0] =	ssyncadd.s32 @!p0 $0xFFFFFF80;
	s0 =	simm.s32 @!p0 $0x80  }
0x9c: {  	[tilespmem:s31], [sflag:$0x1] =	stream.indirect.gather @!p0 [hbm4b:s6+s0], $0x40, s30, s0, $0xb8;
	[tilespmem:$0x8200] =	vst v63  }
0x9d: {  	_ =	swait.ge [sflag:s28], $0x2000  }
0x9e: {  	[sflag:s28] =	ssyncset.done $0x0  }
0x9f: {  	s30 =	simm.s32 $0x4200;
	[sflag:s28] =	ssyncadd.s32 $0xFFFFE000  }
0xa0: {  	v0 =	vld [tilespmem:s30+$0xF0]  }
0xa1: {  	v1 =	vld [tilespmem:s30+$0x10]  }
0xa2: {  	v2 =	vld [tilespmem:s30+$0x20]  }
0xa3: {  	v3 =	vld [tilespmem:s30+$0x30]  }
0xa4: {  	v4 =	vld [tilespmem:s30+$0x40]  }
0xa5: {  	v5 =	vld [tilespmem:s30+$0x50];
	v0 =	vmul.f32 $8.000000000e+00, v0  }
0xa6: {  	v6 =	vld [tilespmem:s30+$0x60];
	v1 =	vmul.f32 $8.000000000e+00, v1  }
0xa7: {  	v7 =	vld [tilespmem:s30+$0x70];
	v2 =	vmul.f32 $8.000000000e+00, v2;
	[tilespmem:s30+$0xF0] =	vst v0  }
0xa8: {  	[tilespmem:s30+$0x10] =	vst v1;
	v0 =	vmul.f32 $8.000000000e+00, v3;
	v3 =	vld [tilespmem:s30+$0x80]  }
0xa9: {  	[tilespmem:s30+$0x20] =	vst v2;
	v1 =	vmul.f32 $8.000000000e+00, v4;
	v4 =	vld [tilespmem:s30+$0x90]  }
0xaa: {  	v8 =	vld [tilespmem:s30+$0xA0];
	v2 =	vmul.f32 $8.000000000e+00, v5;
	[tilespmem:s30+$0x30] =	vst v0  }
0xab: {  	v5 =	vmul.f32 $8.000000000e+00, v6;
	[tilespmem:s30+$0x40] =	vst v1;
	v0 =	vld [tilespmem:s30+$0xB0]  }
0xac: {  	v6 =	vmul.f32 $8.000000000e+00, v7;
	[tilespmem:s30+$0x50] =	vst v2;
	v1 =	vld [tilespmem:s30+$0xC0]  }
0xad: {  	[tilespmem:s30+$0x60] =	vst v5;
	v2 =	vld [tilespmem:s30+$0xD0];
	v7 =	vmul.f32 $8.000000000e+00, v3  }
0xae: {  	[tilespmem:s30+$0x70] =	vst v6;
	v3 =	vld [tilespmem:s30+$0xE0];
	v5 =	vmul.f32 $8.000000000e+00, v4  }
0xaf: {  	s31 =	simm.s32 $0x0;
	s0 =	simm.s32 $0x4300;
	v6 =	vmul.f32 $8.000000000e+00, v8;
	v4 =	vld [tilespmem:s30+$0x0];
	[tilespmem:s30+$0x80] =	vst v7  }
.LBB2_7:
0xb0: {  	v7 =	vld [tilespmem:s0+$0xF0];
	s31 =	sadd.s32 $0x4, s31;
	[tilespmem:s30+$0x90] =	vst v5;
	v0 =	vmul.f32 $8.000000000e+00, v0  }
0xb1: {  	v5 =	vld [tilespmem:s0+$0x10];
	p1 =	slt.u32 s31, $0x7C;
	[tilespmem:s30+$0xA0] =	vst v6;
	v1 =	vmul.f32 $8.000000000e+00, v1  }
0xb2: {  	v6 =	vld [tilespmem:s0+$0x20];
	[tilespmem:s30+$0xB0] =	vst v0;
	v0 =	vmul.f32 $8.000000000e+00, v2  }
0xb3: {  	v2 =	vld [tilespmem:s0+$0x30];
	[tilespmem:s30+$0xC0] =	vst v1;
	v1 =	vmul.f32 $8.000000000e+00, v3  }
0xb4: {  	v3 =	vld [tilespmem:s0+$0x40];
	v4 =	vmul.f32 $8.000000000e+00, v4;
	[tilespmem:s30+$0xD0] =	vst v0  }
0xb5: {  	v0 =	vld [tilespmem:s0+$0x50];
	v7 =	vmul.f32 $8.000000000e+00, v7;
	[tilespmem:s30+$0xE0] =	vst v1  }
0xb6: {  	v1 =	vmul.f32 $8.000000000e+00, v5;
	v5 =	vld [tilespmem:s0+$0x60];
	[tilespmem:s30+$0x0] =	vst v4;
	s30 =	smov.u32 s0  }
0xb7: {  	v4 =	vmul.f32 $8.000000000e+00, v6;
	v6 =	vld [tilespmem:s0+$0x70];
	[tilespmem:s0+$0xF0] =	vst v7  }
0xb8: {  	[tilespmem:s0+$0x10] =	vst v1;
	v1 =	vmul.f32 $8.000000000e+00, v2;
	v2 =	vld [tilespmem:s0+$0x80]  }
0xb9: {  	[tilespmem:s0+$0x20] =	vst v4;
	v3 =	vmul.f32 $8.000000000e+00, v3;
	v4 =	vld [tilespmem:s0+$0x90]  }
0xba: {  	[tilespmem:s0+$0x30] =	vst v1;
	v1 =	vmul.f32 $8.000000000e+00, v0;
	v7 =	vld [tilespmem:s0+$0xA0]  }
.Ltmp4:
0xbb: {  	[tilespmem:s0+$0x40] =	vst v3;
	v3 =	vmul.f32 $8.000000000e+00, v5;
	v0 =	vld [tilespmem:s0+$0xB0];
	(pc) =	sbr.rel @p1 .LBB2_7-.Ltmp4, $4  }
0xbc: {  	[tilespmem:s0+$0x50] =	vst v1;
	v5 =	vmul.f32 $8.000000000e+00, v6;
	v1 =	vld [tilespmem:s0+$0xC0]  }
0xbd: {  	[tilespmem:s0+$0x60] =	vst v3;
	v6 =	vmul.f32 $8.000000000e+00, v2;
	v2 =	vld [tilespmem:s0+$0xD0]  }
0xbe: {  	[tilespmem:s0+$0x70] =	vst v5;
	v5 =	vmul.f32 $8.000000000e+00, v4;
	v3 =	vld [tilespmem:s0+$0xE0]  }
0xbf: {  	s0 =	sadd.s32 $0x100, s0;
	v4 =	vld [tilespmem:s30+$0x0];
	[tilespmem:s30+$0x80] =	vst v6;
	v6 =	vmul.f32 $8.000000000e+00, v7  }
0xc0: {  	[tilespmem:s30+$0x90] =	vst v5;
	v0 =	vmul.f32 $8.000000000e+00, v0  }
0xc1: {  	[tilespmem:s30+$0xA0] =	vst v6;
	v1 =	vmul.f32 $8.000000000e+00, v1  }
0xc2: {  	[tilespmem:s30+$0xB0] =	vst v0;
	v0 =	vmul.f32 $8.000000000e+00, v2  }
0xc3: {  	s0 =	sadd.s32 s7, s13;
	[tilespmem:s30+$0xC0] =	vst v1;
	v1 =	vmul.f32 $8.000000000e+00, v3  }
0xc4: {  	s0 =	sshll.u32 s0, $0x3;
	v2 =	vmul.f32 $8.000000000e+00, v4;
	[tilespmem:s30+$0xD0] =	vst v0  }
0xc5: {  	s0 =	sand.u32 $0x1FFFF800, s0;
	[tilespmem:s30+$0xE0] =	vst v1  }
0xc6: {  	s0 =	sadd.s32 s2, s0;
	[tilespmem:s30+$0x0] =	vst v2  }
0xc7: {  	[hbm4b:s0+s3] =	stream.linear.scatter [tilespmem:s22], [sflag:$0x7], $0x2000, $0x38;
	[tilespmem:$0x8200] =	vst v63  }
0xc8: {  	s0 =	simm.s32 @!p0 $0x6  }
0xc9: {  	_ =	swait.ge @!p0 [sflag:s0], $0x2000  }
0xca: {  	s30 =	sadd.s32 @!p0 s7, s14;
	[sflag:s0] =	ssyncset.done @!p0 $0x0  }
0xcb: {  	[sflag:s0] =	ssyncadd.s32 @!p0 $0xFFFFE000;
	s0 =	sshrl.u32 @!p0 s30, $0x3  }
0xcc: {  	s31 =	simm.s32 @!p0 $0x80;
	s30 =	simm.s32 @!p0 $0x0;
	s0 =	sadd.s32 @!p0 s5, s0  }
0xcd: {  	[tilespmem:s31], [sflag:$0x9] =	stream.linear.gather @!p0 [hbm4b:s0+s30], $0x80, $0x38;
	[tilespmem:$0x8200] =	vst v63  }
0xce: {  	s0 =	simm.s32 @!p0 $0x9  }
0xcf: {  	_ =	swait.ge @!p0 [sflag:s0], $0x80  }
0xd0: {  	[sflag:s0] =	ssyncset.done @!p0 $0x0  }
0xd1: {  	[sflag:s0] =	ssyncadd.s32 @!p0 $0xFFFFFF80;
	s0 =	simm.s32 @!p0 $0x2200  }
0xd2: {  	[tilespmem:s0], [sflag:$0x2] =	stream.indirect.gather @!p0 [hbm4b:s6+s31], $0x40, s31, s31, $0xb8;
	[tilespmem:$0x8200] =	vst v63  }
0xd3: {  	_ =	swait.ge [sflag:s29], $0x2000  }
0xd4: {  	[sflag:s29] =	ssyncset.done $0x0  }
0xd5: {  	s30 =	simm.s32 $0x6200;
	[sflag:s29] =	ssyncadd.s32 $0xFFFFE000  }
0xd6: {  	v0 =	vld [tilespmem:s30+$0xF0]  }
0xd7: {  	v1 =	vld [tilespmem:s30+$0x10]  }
0xd8: {  	v2 =	vld [tilespmem:s30+$0x20]  }
0xd9: {  	v3 =	vld [tilespmem:s30+$0x30]  }
0xda: {  	v4 =	vld [tilespmem:s30+$0x40]  }
0xdb: {  	v5 =	vld [tilespmem:s30+$0x50];
	v0 =	vmul.f32 $8.000000000e+00, v0  }
0xdc: {  	v6 =	vld [tilespmem:s30+$0x60];
	v1 =	vmul.f32 $8.000000000e+00, v1  }
0xdd: {  	v7 =	vld [tilespmem:s30+$0x70];
	v2 =	vmul.f32 $8.000000000e+00, v2;
	[tilespmem:s30+$0xF0] =	vst v0  }
0xde: {  	[tilespmem:s30+$0x10] =	vst v1;
	v0 =	vmul.f32 $8.000000000e+00, v3;
	v3 =	vld [tilespmem:s30+$0x80]  }
0xdf: {  	[tilespmem:s30+$0x20] =	vst v2;
	v1 =	vmul.f32 $8.000000000e+00, v4;
	v4 =	vld [tilespmem:s30+$0x90]  }
0xe0: {  	v8 =	vld [tilespmem:s30+$0xA0];
	v2 =	vmul.f32 $8.000000000e+00, v5;
	[tilespmem:s30+$0x30] =	vst v0  }
0xe1: {  	v5 =	vmul.f32 $8.000000000e+00, v6;
	[tilespmem:s30+$0x40] =	vst v1;
	v0 =	vld [tilespmem:s30+$0xB0]  }
0xe2: {  	v6 =	vmul.f32 $8.000000000e+00, v7;
	[tilespmem:s30+$0x50] =	vst v2;
	v1 =	vld [tilespmem:s30+$0xC0]  }
0xe3: {  	[tilespmem:s30+$0x60] =	vst v5;
	v2 =	vld [tilespmem:s30+$0xD0];
	v7 =	vmul.f32 $8.000000000e+00, v3  }
0xe4: {  	[tilespmem:s30+$0x70] =	vst v6;
	v3 =	vld [tilespmem:s30+$0xE0];
	v5 =	vmul.f32 $8.000000000e+00, v4  }
0xe5: {  	s31 =	simm.s32 $0x0;
	s0 =	simm.s32 $0x6300;
	v6 =	vmul.f32 $8.000000000e+00, v8;
	v4 =	vld [tilespmem:s30+$0x0];
	[tilespmem:s30+$0x80] =	vst v7  }
.LBB2_9:
0xe6: {  	v7 =	vld [tilespmem:s0+$0xF0];
	s31 =	sadd.s32 $0x4, s31;
	[tilespmem:s30+$0x90] =	vst v5;
	v0 =	vmul.f32 $8.000000000e+00, v0  }
0xe7: {  	v5 =	vld [tilespmem:s0+$0x10];
	p1 =	slt.u32 s31, $0x7C;
	[tilespmem:s30+$0xA0] =	vst v6;
	v1 =	vmul.f32 $8.000000000e+00, v1  }
0xe8: {  	v6 =	vld [tilespmem:s0+$0x20];
	[tilespmem:s30+$0xB0] =	vst v0;
	v0 =	vmul.f32 $8.000000000e+00, v2  }
0xe9: {  	v2 =	vld [tilespmem:s0+$0x30];
	[tilespmem:s30+$0xC0] =	vst v1;
	v1 =	vmul.f32 $8.000000000e+00, v3  }
0xea: {  	v3 =	vld [tilespmem:s0+$0x40];
	v4 =	vmul.f32 $8.000000000e+00, v4;
	[tilespmem:s30+$0xD0] =	vst v0  }
0xeb: {  	v0 =	vld [tilespmem:s0+$0x50];
	v7 =	vmul.f32 $8.000000000e+00, v7;
	[tilespmem:s30+$0xE0] =	vst v1  }
0xec: {  	v1 =	vmul.f32 $8.000000000e+00, v5;
	v5 =	vld [tilespmem:s0+$0x60];
	[tilespmem:s30+$0x0] =	vst v4;
	s30 =	smov.u32 s0  }
0xed: {  	v4 =	vmul.f32 $8.000000000e+00, v6;
	v6 =	vld [tilespmem:s0+$0x70];
	[tilespmem:s0+$0xF0] =	vst v7  }
0xee: {  	[tilespmem:s0+$0x10] =	vst v1;
	v1 =	vmul.f32 $8.000000000e+00, v2;
	v2 =	vld [tilespmem:s0+$0x80]  }
0xef: {  	[tilespmem:s0+$0x20] =	vst v4;
	v3 =	vmul.f32 $8.000000000e+00, v3;
	v4 =	vld [tilespmem:s0+$0x90]  }
0xf0: {  	[tilespmem:s0+$0x30] =	vst v1;
	v1 =	vmul.f32 $8.000000000e+00, v0;
	v7 =	vld [tilespmem:s0+$0xA0]  }
.Ltmp5:
0xf1: {  	[tilespmem:s0+$0x40] =	vst v3;
	v3 =	vmul.f32 $8.000000000e+00, v5;
	v0 =	vld [tilespmem:s0+$0xB0];
	(pc) =	sbr.rel @p1 .LBB2_9-.Ltmp5, $4  }
0xf2: {  	[tilespmem:s0+$0x50] =	vst v1;
	v5 =	vmul.f32 $8.000000000e+00, v6;
	v1 =	vld [tilespmem:s0+$0xC0]  }
0xf3: {  	[tilespmem:s0+$0x60] =	vst v3;
	v6 =	vmul.f32 $8.000000000e+00, v2;
	v2 =	vld [tilespmem:s0+$0xD0]  }
0xf4: {  	[tilespmem:s0+$0x70] =	vst v5;
	v5 =	vmul.f32 $8.000000000e+00, v4;
	v3 =	vld [tilespmem:s0+$0xE0]  }
0xf5: {  	s0 =	sadd.s32 $0x100, s0;
	v4 =	vld [tilespmem:s30+$0x0];
	[tilespmem:s30+$0x80] =	vst v6;
	v6 =	vmul.f32 $8.000000000e+00, v7  }
0xf6: {  	[tilespmem:s30+$0x90] =	vst v5;
	v0 =	vmul.f32 $8.000000000e+00, v0  }
0xf7: {  	[tilespmem:s30+$0xA0] =	vst v6;
	v1 =	vmul.f32 $8.000000000e+00, v1  }
0xf8: {  	[tilespmem:s30+$0xB0] =	vst v0;
	v61 =	vmul.f32 $8.000000000e+00, v2  }
.Ltmp6:
0xf9: {  	s0 =	sshll.u32 s16, $0xD;
	[tilespmem:s30+$0xC0] =	vst v1;
	v62 =	vmul.f32 $8.000000000e+00, v3;
	(pc) =	sbr.rel @p0 .LBB2_12-.Ltmp6, $4  }
0xfa: {  	s0 =	sadd.s32 s10, s0;
	v63 =	vmul.f32 $8.000000000e+00, v4;
	[tilespmem:s30+$0xD0] =	vst v61  }
0xfb: {  	s0 =	sshrl.u32 s0, $0x3;
	[tilespmem:s30+$0xE0] =	vst v62  }
0xfc: {  	s0 =	sadd.s32 s2, s0;
	[tilespmem:s30+$0x0] =	vst v63  }
0xfd: {  	[hbm4b:s0+s3] =	stream.linear.scatter [tilespmem:s25], [sflag:$0x8], $0x2000, $0x38;
	[tilespmem:$0x8200] =	vst v63  }
0xfe: {  	_ =	swait.ge [sflag:s1], $0x2000;
	s0 =	sadd.s32 s7, s15  }
0xff: {  	[sflag:s1] =	ssyncset.done $0x0;
	s0 =	sshrl.u32 s0, $0x3  }
0x100: {  	[sflag:s1] =	ssyncadd.s32 $0xFFFFE000;
	s0 =	sadd.s32 s5, s0  }
0x101: {  	[tilespmem:s21], [sflag:$0x9] =	stream.linear.gather [hbm4b:s0+s3], $0x80, $0x38;
	[tilespmem:$0x8200] =	vst v63  }
.Ltmp7:
0x102: {  	_ = 	snop;
	(pc) =	sbr.rel .LBB2_2-.Ltmp7, $4  }
0x103: {  	_ =	swait.ge [sflag:s17], $0x80  }
0x104: {  	[sflag:s17] =	ssyncset.done $0x0  }
0x105: {  	s9 =	sadd.s32 $0x1, s9;
	[sflag:s17] =	ssyncadd.s32 $0xFFFFFF80  }
0x106: {  	[tilespmem:s22], [sflag:$0x3] =	stream.indirect.gather [hbm4b:s6+s18], $0x40, s21, s18, $0xb8;
	[tilespmem:$0x8200] =	vst v63  }
.LBB2_13:
0x107: {  	_ =	sfence.sel $0x180000  }
0x108: {  	[bflag:$0x0] =	sbarrier.arrive $0xFFFF  }
0x109: {  	_ =	strace $0x90000047  }
0x10a: {  	s0 =	stileid.u32;
	[bflag:$0x2] =	sbarrier.arrive $0xFFFF  }
0x10b: {  	p0 =	sne.s32 s0, $0x0;
	s0 =	rddreg [dreg:$0x2]  }
0x10c: {  	s0 =	sadd.s32 @!p0 $0x100000, s0  }
0x10d: {  	[sflag:s0] =	ssyncadd.tile.s32 @!p0 $0x1;
	_ =	shalt  }
.Lfunc_end2:
_tile_overlayer_lowered:
.L_overlay_start_2:
0x10e: {  	(tag) =	ssettag $0x2  }
0x10f: {  	s0 =	rddreg [dreg:$0x0];
	s2 =	stileid.u32  }
0x110: {  	s1 =	rddreg [dreg:$0x1];
	p0 =	sne.s32 s2, $0x0  }
0x111: {  	s3 =	rddreg [dreg:$0x2];
	[bflag:$0x3] =	sbarrier.arrive $0xFFFF;
	s2 =	simm.s32 @!p0 $0x1C09  }
0x112: {  	[timem:s3], [sflag:s2] =	dma.local @!p0 [hbm:s0], s1  }
0x113: {  	s0 =	simm.s32 @!p0 $0x9  }
0x114: {  	_ =	swait.ge @!p0 [sflag:s0], s1  }
0x115: {  	s1 =	ssub.s32 @!p0 $0x0, s1;
	[sflag:s0] =	ssyncset.done @!p0 $0x0  }
0x116: {  	[sflag:s0] =	ssyncadd.s32 @!p0 s1  }
0x117: {  	[bflag:$0x3] =	sbarrier.arrive $0xFFFF  }
0x118: {  	_ =	shalt  }

// kernel: sparse-core-data-format-call.cloned.1.call-start
scs
called_computation_lowered:
.L_overlay_start_0:
0x0: {  	s2 =	sld [smem:$0x3FD9]  }
0x1: {  	s3 =	sld [smem:$0x3FFE];
	_ =	sdelay $0x1  }
0x2: {  	s1 =	srdreg.scid  }
0x3: {  	s0 =	sand.u32 $0x1, s1  }
0x4: {  	s18 =	sshll.u32 s0, $0xA;
	s2 =	sadd.s32 s3, s2  }
0x5: {  	s2 =	sadd.s32 s2, s18  }
0x6: {  	[smem:$0x3FC6] =	sst s2  }
0x7: {  	_ = 	snop  }
0x8: {  	s2 =	sld [smem:$0x3FD0];
	(tm) =	ssettm $0x1  }
0x9: {  	s19 =	sld [smem:$0x3FFB];
	_ =	sdelay $0x3  }
0xa: {  	_ =	strace s19  }
0xb: {  	s3 =	sld [smem:$0x3FFC];
	_ =	sdelay $0x3  }
0xc: {  	_ =	strace s3  }
0xd: {  	s3 =	sld [smem:$0x3FFD];
	_ =	sdelay $0x3  }
0xe: {  	_ =	strace s3  }
0xf: {  	_ =	strace $0x8FFFFFFF  }
0x10: {  	s20 =	sld [smem:$0x3FDB];
	_ =	sdelay $0x1  }
0x11: {  	s4 =	simm.s32 $_scs_section_size  }
0x12: {  	s5 =	simm.s32 $_size__tile_overlayer_lowered;
	s6 =	simm.s32 $_tile_overlayer_lowered  }
0x13: {  	s23 =	simm.s32 $0x1BFF;
	s22 =	sshll.u32 s6, $0x1;
	s3 =	sadd.s32 s4, s20  }
0x14: {  	s7 =	simm.s32 $0x0;
	s21 =	sshll.u32 s5, $0x1;
	s5 =	sadd.s32 s22, s3  }
0x15: {  	[timem:s7], [sflag:s23] =	dma.local [hbm:s5], s21  }
0x16: {  	_ =	swait.ge [sflag:s23], s21  }
0x17: {  	s4 =	ssub.s32 $0x0, s21;
	[sflag:s23] =	ssyncset.done $0x0  }
0x18: {  	[sflag:s23] =	ssyncadd.s32 s4;
	_ =	sdelay $0x1  }
0x19: {  	s24 =	simm.s32 $0x1B8B  }
0x1a: {  	_ =	swait.ge [sflag:s24], $0x1  }
0x1b: {  	[sflag:s24] =	ssyncset.done $0x0  }
0x1c: {  	s26 =	simm.s32 $0x1B8E;
	s25 =	sld [smem:$0x3FFE];
	[sflag:s24] =	ssyncadd.s32 $0xFFFFFFFF  }
0x1d: {  	s27 =	simm.s32 $execute0_lowered;
	[smem:$0x3FD2] =	sst s26  }
0x1e: {  	s5 =	sshll.u32 s27, $0x1;
	_ =	strace $0x80000049;
	[dreg:$0x1] =	wrdreg $0xFFFFFFFF  }
0x1f: {  	s28 =	simm.s32 $_size_execute0_lowered;
	s3 =	sadd.s32 s3, s5;
	[dreg:$0x0] =	wrdreg $0x0  }
0x20: {  	s5 =	sshll.u32 s28, $0x1;
	[dreg:$0x2] =	wrdreg s3  }
0x21: {  	[dreg:$0x3] =	wrdreg s5  }
0x22: {  	[dreg:$0x4] =	wrdreg $0xC0  }
0x23: {  	_ =	task [dreg:s7], $0x5FFFF  }
0x24: {  	[dreg:$0x1] =	wrdreg $0xFFFFFFFF  }
0x25: {  	[dreg:$0x0] =	wrdreg $0x60  }
0x26: {  	[dreg:$0x2] =	wrdreg s25  }
0x27: {  	[dreg:$0x3] =	wrdreg s2  }
0x28: {  	[dreg:$0x4] =	wrdreg $0x9  }
0x29: {  	_ =	task.clear_ibuf [dreg:s7], $0x5FFFF;
	_ =	strace $0x90000049  }
0x2a: {  	s29 =	simm.s32 $0x9;
	_ =	strace $0x8000004B  }
0x2b: {  	_ =	swait.ge [sflag:s29], $0x1  }
0x2c: {  	[sflag:s29] =	ssyncadd.s32 $0xFFFFFFFF  }
0x2d: {  	_ =	strace $0x9000004B  }
0x2e: {  	_ =	sfence  }
0x2f: {  	s30 =	sld [smem:$0x0];
	_ =	sdelay $0x2  }
0x30: {  	s31 =	sshll.u32 s1, $0xD;
	s1 =	sshrl.u32 s1, $0x2  }
0x31: {  	s3 =	sand.u32 $0x4000, s31;
	s1 =	sadd.s32 s1, s30  }
0x32: {  	s0 =	sor.u32 s3, s0;
	s1 =	sshll.u32 s1, $0x11  }
0x33: {  	s0 =	sor.u32 s1, s0  }
0x34: {  	s0 =	sadd.s32 $0x8F2B, s0  }
0x35: {  	[sflag:s0] =	ssyncadd.remote.s32 $0x1  }
0x36: {  	_ =	sfence.sel $0xFFFF  }
0x37: {  	[dreg:$0x0] =	wrdreg $0xFFFFFFFF;
	(pc) =	sbr.abs _section_cstart, $3  }
0x38: {  	[dreg:$0x1] =	wrdreg $0xFFFFFFFF  }
0x39: {  	_ =	task.clear_ibuf [dreg:s7], $0x2FFFF;
	_ =	strace $0x9FFFFFFF  }
0x3a: {  	(tm) =	ssettm $0x7FFFFFFF  }
0x3b: {  	_ =	shalt  }
tec
execute0_lowered:
.L_overlay_start_1:
0x0: {  	(tag) =	ssettag $0x1  }
0x1: {  	s0 =	srdreg.scid  }
0x2: {  	s1 =	sshll.u32 s0, $0x4  }
0x3: {  	s0 =	stileid.u32;
	s1 =	sand.u32 $0x10, s1  }
0x4: {  	s1 =	sor.u32 s0, s1  }
0x5: {  	s6 =	rddreg [dreg:$0x0];
	s4 =	simm.s32 $0x1;
	s2 =	sshll.u32 s1, $0x7  }
0x6: {  	s7 =	simm.s32 $0x2;
	s12 =	simm.s32 $0x0;
	s1 =	ssub.s32 $0x1000, s2  }
0x7: {  	s8 =	simm.s32 $0x8000;
	s13 =	simm.s32 $0x0;
	s3 =	sand.u32 $0xF80, s1  }
0x8: {  	s9 =	simm.s32 $0x0;
	s5 =	sshrl.u32 s1, $0xC;
	p0 =	sne.s32 s3, $0x0  }
.Ltmp0:
0x9: {  	s1 =	rddreg [dreg:$0x2];
	s4 =	simm.s32 @!p0 $0x0;
	(pc) =	sbr.rel .LBB1_1-.Ltmp0, $4  }
0xa: {  	s11 =	simm.s32 $0x0;
	s3 =	rddreg [dreg:$0x1];
	s5 =	sadd.s32 s4, s5  }
0xb: {  	_ =	strace $0x8000004A;
	s4 =	simm.s32 $0x1;
	s5 =	smul.u32 $0xC8, s5  }
0xc: {  	s6 =	sadd.s32 $0xA00, s6;
	s10 =	smov.u32 s2;
	[sflag:s4] =	ssyncpa.u1 $0x0  }
0xd: {  	p0 =	por $0x0, $0x0;
	[sflag:s7] =	ssyncpa.u1 $0x0;
	s7 =	sor.u32 $0x1, s5  }
.LBB1_4:
0xe: {  	s16 =	sshll.u32 s13, $0x3;
	s17 =	sand.u32 $0x78, s13  }
0xf: {  	s30 =	sand.u32 $0x7E00, s13;
	s12 =	sshll.u32 s12, $0xF;
	s16 =	sand.u32 $0xC00, s16  }
0x10: {  	[tilespmem:s15+$0x810 ss:$0x81] =	vst.msk $0xffff, v2;
	s31 =	sand.u32 $0x7, s13;
	s16 =	sor.u32 s17, s16;
	s17 =	sadd.s32 s3, s30  }
0x11: {  	[tilespmem:s15+$0x1020 ss:$0x81] =	vst.msk $0xffff, v0;
	s13 =	sshll.u32 s31, $0x12;
	s12 =	sadd.s32 s12, s17;
	s16 =	sshrl.u32 s16, $0x3  }
0x12: {  	[tilespmem:s15+$0x0 ss:$0x81] =	vst.msk $0xffff, v1;
	s13 =	sor.u32 $0x400, s13;
	s12 =	sadd.s32 s16, s12  }
0x13: {  	[hbm4b:s12+s13] =	stream.strided.scatter [tilespmem:s14], [sflag:$0x2], $0x2000, s8, s13, $0x20;
	[tilespmem:$0x8080] =	vst v63  }
.LBB1_5:
0x14: {  	s14 =	sadd.s32 $0x1, s9  }
0x15: {  	s12 =	sadd.s32 $0x1000, s10;
	s16 =	smov.u32 s10;
	p2 =	sgt.s32 s14, $0xC7  }
0x16: {  	s16 =	smov.u32 @p2 s12  }
0x17: {  	s14 =	simm.s32 @p2 $0x0;
	p2 =	sgt.s32 s16, $0xFFF  }
0x18: {  	s16 =	smov.u32 @p2 s2;
	p2 =	sne.s32 s11, s7  }
.Ltmp1:
0x19: {  	p1 =	slt.u32 s11, $0x2;
	(pc) =	sbr.rel @!p2 .LBB1_6-.Ltmp1, $4  }
0x1a: {  	s15 =	simm.s32 @!p1 $0x2  }
0x1b: {  	s13 =	smov.u32 s10;
	p0 =	por !p0, !p0;
	_ =	swait.ge @!p1 [sflag:s15], $0x2000  }
0x1c: {  	s12 =	smov.u32 s9;
	[sflag:s15] =	ssyncset.done @!p1 $0x0;
	s9 =	smov.u32 s14  }
0x1d: {  	s11 =	sadd.s32 $0x1, s11;
	[sflag:s15] =	ssyncadd.s32 @!p1 $0xFFFFE000;
	s10 =	smov.u32 s16  }
.LBB1_1:
0x1e: {  	p1 =	sge.u32 s11, s5  }
0x1f: {  	s14 =	sand.u32 @!p1 $0x1FFFFFF, s9  }
0x20: {  	s15 =	smulhi.u32 @!p1 $0x147AE15, s14;
	_ =	sdelay $0x1  }
0x21: {  	s15 =	smul.u32 @!p1 $0xC8, s15  }
0x22: {  	s16 =	sxor.u32 @!p1 $0xFFFFFFFF, s11;
	s17 =	smul.u32 @!p1 $0xC80, s10  }
0x23: {  	s31 =	sadd.s32 $0xFFFFFFFF, s11;
	s16 =	sshll.u32 @!p1 s16, $0xD;
	s14 =	ssub.s32 @!p1 s14, s15  }
0x24: {  	s15 =	sand.u32 @!p1 $0x2000, s16;
	s16 =	sadd.s32 @!p1 s6, s17;
	s14 =	sshll.u32 @!p1 s14, $0x4  }
0x25: {  	s17 =	simm.s32 @!p1 $0x6400;
	s14 =	sadd.s32 @!p1 s14, s16;
	s16 =	simm.s32 @!p1 $0x40  }
0x26: {  	[tilespmem:s15], [sflag:$0x1] =	stream.strided.gather @!p1 [hbm4b:s14+s16], $0x2000, s17, s16, $0x38;
	[tilespmem:$0x8080] =	vst v63  }
0x27: {  	p1 =	sge.u32 s31, s5  }
.Ltmp2:
0x28: {  	_ = 	snop;
	(pc) =	sbr.rel @p1 .LBB1_5-.Ltmp2, $1  }
0x29: {  	_ =	sdelay $0x3  }
0x2a: {  	s14 =	simm.s32 $0x1  }
0x2b: {  	_ =	swait.ge [sflag:s4], $0x2000;
	s14 =	simm.s32 @!p0 $0x0  }
0x2c: {  	[sflag:s4] =	ssyncset.done $0x0;
	s15 =	sshll.u32 s14, $0xD  }
0x2d: {  	[sflag:s4] =	ssyncadd.s32 $0xFFFFE000;
	s18 =	sor.u32 $0x20, s15  }
0x2e: {  	s14 =	smul.u32 $0x8100, s14;
	v3 =	vld [tilespmem:s18+$0x10]  }
0x2f: {  	s30 =	sand.u32 $0x1, s11;
	v2 =	vld [tilespmem:s18+$0xFFFFFFF0]  }
0x30: {  	s15 =	smul.u32 $0x8100, s30;
	s14 =	sshrl.u32 s14, $0x2;
	v0 =	vld [tilespmem:s18+$0x0]  }
0x31: {  	v1 =	vld [tilespmem:s18+$0xFFFFFFE0];
	s16 =	sor.u32 $0x4000, s14  }
0x32: {  	s31 =	sshrl.u32 s15, $0x2;
	s15 =	sadd.s32 $0x0, s16  }
0x33: {  	s17 =	simm.s32 $0x4;
	s18 =	sadd.s32 $0x40, s18;
	s14 =	sor.u32 $0x4000, s31;
	[tilespmem:s15+$0x1830 ss:$0x81] =	vst.msk $0xffff, v3  }
.LBB1_3:
0x34: {  	v3 =	vld [tilespmem:s18+$0x10];
	p1 =	sne.s32 s17, $0x1FC;
	[tilespmem:s15+$0x810 ss:$0x81] =	vst.msk $0xffff, v2;
	s19 =	smov.u32 s17;
	s17 =	sadd.s32 $0x4, s17  }
.Ltmp3:
0x35: {  	v2 =	vld [tilespmem:s18+$0xFFFFFFF0];
	[tilespmem:s15+$0x1020 ss:$0x81] =	vst.msk $0xffff, v0;
	(pc) =	sbr.rel @p1 .LBB1_3-.Ltmp3, $4  }
0x36: {  	v0 =	vld [tilespmem:s18+$0x0];
	[tilespmem:s15+$0x0 ss:$0x81] =	vst.msk $0xffff, v1  }
0x37: {  	s15 =	sshra.s32 s19, $0x2;
	v1 =	vld [tilespmem:s18+$0xFFFFFFE0]  }
0x38: {  	s15 =	sadd.s32 s15, s16  }
0x39: {  	s18 =	sadd.s32 $0x40, s18;
	[tilespmem:s15+$0x1830 ss:$0x81] =	vst.msk $0xffff, v3  }
.Ltmp4:
0x3a: {  	_ = 	snop;
	(pc) =	sbr.rel .LBB1_4-.Ltmp4, $1  }
0x3b: {  	_ =	sdelay $0x3  }
.LBB1_6:
0x3c: {  	_ =	sfence.sel $0x180000  }
0x3d: {  	s2 =	simm.s32 $0x1;
	[bflag:$0x0] =	sbarrier.arrive $0xFFFF  }
0x3e: {  	s31 =	simm.s32 $0x2;
	[sflag:s2] =	ssyncpa.u1 $0x1  }
0x3f: {  	[sflag:s31] =	ssyncpa.u1 $0x1  }
0x40: {  	p0 =	sne.s32 s0, $0x0;
	_ =	strace $0x9000004A  }
0x41: {  	s0 =	sadd.s32 @!p0 $0x100000, s1;
	[bflag:$0x2] =	sbarrier.arrive $0xFFFF  }
0x42: {  	[sflag:s0] =	ssyncadd.tile.s32 @!p0 $0x1;
	_ =	shalt  }
.Lfunc_end1:
_tile_overlayer_lowered:
.L_overlay_start_2:
0x43: {  	(tag) =	ssettag $0x2  }
0x44: {  	s0 =	rddreg [dreg:$0x0];
	s2 =	stileid.u32  }
0x45: {  	s1 =	rddreg [dreg:$0x1];
	p0 =	sne.s32 s2, $0x0  }
0x46: {  	s3 =	rddreg [dreg:$0x2];
	[bflag:$0x3] =	sbarrier.arrive $0xFFFF;
	s2 =	simm.s32 @!p0 $0x1C01  }
0x47: {  	[timem:s3], [sflag:s2] =	dma.local @!p0 [hbm:s0], s1  }
0x48: {  	s0 =	simm.s32 @!p0 $0x1  }
0x49: {  	_ =	swait.ge @!p0 [sflag:s0], s1  }
0x4a: {  	s1 =	ssub.s32 @!p0 $0x0, s1;
	[sflag:s0] =	ssyncset.done @!p0 $0x0  }
0x4b: {  	[sflag:s0] =	ssyncadd.s32 @!p0 s1  }
0x4c: {  	[bflag:$0x3] =	sbarrier.arrive $0xFFFF  }
0x4d: {  	_ =	shalt  }

</sc_bundles>
